<compile_context>
chip_gen: v7x
topology: tpu7x:2x2x1
jax: 0.10.2.dev20260603
libtpu: 0.0.44.dev20260713+nightly
codegen_flags: <defaults>
</compile_context>

<pallas_src>
import functools

import jax
import jax.numpy as jnp
from jax import lax
from jax.experimental import pallas as pl
from jax.experimental.pallas import tpu as pltpu
from jax.experimental.pallas import tpu_sc as plsc

NUM_MASHUP = 8000
NUM_API = 2000
WPR = NUM_API // 2
WORDS = NUM_MASHUP * WPR
FEAT = 128
CH = 768
BETA = 0.5
F32 = jnp.float32
BF16 = jnp.bfloat16

SC_NC = 2
SC_NS = 16
SC_NW = SC_NC * SC_NS
LANES = 16
WSIZE = 32768

EVEN_ONE = 0x3F80
ODD_ONE = 0x3F800000


def _cdiv(a, b):
    return (a + b - 1) // b


BACKS = 4096
WROWS = 32
WWORDS = WROWS * WPR


def _build_adjacency_words(src_half, dst_half, e2):
    nper = _cdiv(_cdiv(e2, LANES), SC_NW) * LANES
    ld = nper + BACKS + 64
    gpmax = ld // LANES

    mesh = plsc.VectorSubcoreMesh(
        core_axis_name="c", subcore_axis_name="s",
        num_cores=SC_NC, num_subcores=SC_NS,
    )

    @functools.partial(
        pl.kernel,
        mesh=mesh,
        out_type=jax.ShapeDtypeStruct((WORDS,), jnp.int32),
        scratch_types=[
            pltpu.VMEM((ld,), jnp.int32),
            pltpu.VMEM((ld,), jnp.int32),
            pltpu.VMEM((2 * WWORDS,), jnp.int32),
        ],
        compiler_params=pltpu.CompilerParams(needs_layout_passes=False),
    )
    def build(src_hbm, dst_hbm, zero_hbm, a_out, src_v, dst_v, win_v):
        wid = lax.axis_index("s") * SC_NC + lax.axis_index("c")
        base = wid * nper
        off0 = pl.multiple_of(jnp.maximum(base - BACKS, 0), 32)
        pltpu.sync_copy(src_hbm.at[pl.ds(off0, ld)], src_v)
        pltpu.sync_copy(dst_hbm.at[pl.ds(off0, ld)], dst_v)
        pltpu.sync_copy(zero_hbm, win_v.at[pl.ds(0, WWORDS)])
        pltpu.sync_copy(zero_hbm, win_v.at[pl.ds(WWORDS, WWORDS)])

        iota = lax.iota(jnp.int32, LANES)
        vals_lo = jnp.full((LANES,), 1, jnp.int32)
        vals_hi = jnp.full((LANES,), 1 << 16, jnp.int32)

        def row_at(pos):
            pos = pl.multiple_of(pos, LANES)
            return src_v[pl.ds(pos, LANES)]

        rstart = jnp.where(wid == 0, 0, row_at(base - off0)[0] & ~1)
        rend = jnp.where(
            wid == SC_NW - 1, NUM_MASHUP, row_at(base + nper - off0)[0] & ~1
        )

        nsteps = gpmax + (rend - rstart) // WROWS + 3

        def step(t, state):
            rb, gp, par = state
            pbase = par * WWORDS
            rlen = jnp.minimum(WROWS, rend - rb)
            rwend = rb + rlen
            live = rb < rend

            gpc = jnp.minimum(gp, gpmax - 1)
            pos = pl.multiple_of(gpc * LANES, LANES)
            s = src_v[pl.ds(pos, LANES)]
            d = dst_v[pl.ds(pos, LANES)]
            a = d - NUM_MASHUP
            gid = off0 + pos + iota
            have_grp = (gp < gpmax) & live
            rr = jnp.where(gid < e2, s, NUM_MASHUP)
            rr = rr + (1 - have_grp.astype(jnp.int32)) * NUM_MASHUP
            inw = (rr >= rb) & (rr < rwend)
            wc = jnp.where(a < WPR, a, a - WPR)
            li = jnp.where(inw, (rr - rb) * WPR + wc, 0) + pbase
            lo = inw & (a < WPR)
            hi = inw & jnp.logical_not(a < WPR)
            plsc.addupdate_scatter(win_v, [li], vals_lo, mask=lo)
            plsc.addupdate_scatter(win_v, [li], vals_hi, mask=hi)
            group_done = rr[LANES - 1] < rwend
            close = jnp.logical_not(group_done) & live

            @pl.when(close)
            def _():
                pl.delay(200)
                for nr in (32, 16, 8, 4, 2):
                    pre = rlen & ~(2 * nr - 1)

                    @pl.when((rlen & nr) != 0)
                    def _(nr=nr, pre=pre):
                        pltpu.sync_copy(
                            win_v.at[pl.ds(
                                pl.multiple_of(pbase + pre * WPR, 8),
                                nr * WPR)],
                            a_out.at[pl.ds(
                                pl.multiple_of((rb + pre) * WPR, 8), nr * WPR)],
                        )
                pltpu.sync_copy(
                    zero_hbm,
                    win_v.at[pl.ds(pl.multiple_of(pbase, 8), WWORDS)],
                )

            rb2 = jnp.where(close, rb + rlen, rb)
            gp2 = jnp.where(group_done, gp + 1, gp)
            par2 = jnp.where(close, 1 - par, par)
            return rb2, gp2, par2

        lax.fori_loop(0, nsteps, step, (rstart, jnp.int32(0), jnp.int32(0)))

    zero_win = jnp.zeros((WWORDS,), jnp.int32)
    return build(src_half, dst_half, zero_win)


def _attention(x, dom, w_sde, b_sde, w_val, b_val, w_key, b_key):
    def body(x_r, dom_r, wsde_r, bsde_r, wval_r, bval_r, wkey_r, bkey_r, z_r):
        v_mi = jax.nn.sigmoid(
            jnp.dot(x_r[...], wsde_r[...], preferred_element_type=F32) + bsde_r[...]
        )
        v_val = jax.nn.sigmoid(
            jnp.dot(dom_r[...], wval_r[...], preferred_element_type=F32) + bval_r[...]
        )
        v_key = jax.nn.sigmoid(
            jnp.dot(dom_r[...], wkey_r[...], preferred_element_type=F32) + bkey_r[...]
        )
        al = lax.dot_general(
            v_mi, v_key, (((1,), (1,)), ((), ())), preferred_element_type=F32
        )
        alpha = al / jnp.sum(al, axis=1, keepdims=True)
        s_m = jnp.dot(alpha, v_val, preferred_element_type=F32)
        z_r[...] = (1.0 - BETA) * s_m + BETA * v_mi

    b = x.shape[0]
    return pl.pallas_call(
        body, out_shape=jax.ShapeDtypeStruct((b, FEAT), F32)
    )(x, dom, w_sde, b_sde, w_val, b_val, w_key, b_key)


def _proj(inp, w, b2d, blk):
    n = inp.shape[0]
    g = n // blk

    def body(i_r, w_r, b_r, o_r):
        o_r[...] = jax.nn.sigmoid(
            jnp.dot(i_r[...], w_r[...], preferred_element_type=F32) + b_r[...]
        )

    return pl.pallas_call(
        body,
        grid=(g,),
        in_specs=[
            pl.BlockSpec((blk, CH), lambda i: (i, 0)),
            pl.BlockSpec((CH, FEAT), lambda i: (0, 0)),
            pl.BlockSpec((1, FEAT), lambda i: (0, 0)),
        ],
        out_specs=pl.BlockSpec((blk, FEAT), lambda i: (i, 0)),
        out_shape=jax.ShapeDtypeStruct((n, FEAT), F32),
    )(inp, w, b2d)


RBLK = 1000
NSTEP = NUM_MASHUP // RBLK


def _rsqrtz(x):
    return jnp.where(x > 0, lax.rsqrt(x), 0.0)


def _gcn1(aw, v_m, v_s):
    def body(a_r, vm_r, vs_r, w_r, dega_r, accu_r, accda_r):
        i = pl.program_id(0)
        awb = a_r[...]
        a_lo = (awb & 1).astype(BF16)
        a_hi = (awb >> 16).astype(BF16)
        degm = lax.dot_general(
            a_lo + a_hi, jnp.ones((WPR, 8), BF16), (((1,), (0,)), ((), ())),
            preferred_element_type=F32,
        )[:, 0:1]
        dism = _rsqrtz(degm)
        x = (dism * vm_r[...]).astype(BF16)
        contrib_u = jnp.concatenate([
            lax.dot_general(a_lo, x, (((0,), (0,)), ((), ())),
                            preferred_element_type=F32),
            lax.dot_general(a_hi, x, (((0,), (0,)), ((), ())),
                            preferred_element_type=F32),
        ], axis=0)
        ones_r = jnp.ones((RBLK, 8), BF16)
        contrib_da = jnp.concatenate([
            lax.dot_general(a_lo, ones_r, (((0,), (0,)), ((), ())),
                            preferred_element_type=F32),
            lax.dot_general(a_hi, ones_r, (((0,), (0,)), ((), ())),
                            preferred_element_type=F32),
        ], axis=0)

        @pl.when(i == 0)
        def _():
            accu_r[...] = contrib_u
            accda_r[...] = contrib_da

        @pl.when(i > 0)
        def _():
            accu_r[...] += contrib_u
            accda_r[...] += contrib_da

        @pl.when(i == NSTEP - 1)
        def _():
            dega = accda_r[...]
            disa = _rsqrtz(dega[:, 0:1])
            w_r[...] = vs_r[...] + disa * accu_r[...]
            dega_r[...] = dega

    return pl.pallas_call(
        body,
        grid=(NSTEP,),
        in_specs=[
            pl.BlockSpec((RBLK, WPR), lambda i: (i, 0)),
            pl.BlockSpec((RBLK, FEAT), lambda i: (i, 0)),
            pl.BlockSpec((NUM_API, FEAT), lambda i: (0, 0)),
        ],
        out_specs=[
            pl.BlockSpec((NUM_API, FEAT), lambda i: (0, 0)),
            pl.BlockSpec((NUM_API, 8), lambda i: (0, 0)),
        ],
        out_shape=[
            jax.ShapeDtypeStruct((NUM_API, FEAT), F32),
            jax.ShapeDtypeStruct((NUM_API, 8), F32),
        ],
        scratch_shapes=[
            pltpu.VMEM((NUM_API, FEAT), F32),
            pltpu.VMEM((NUM_API, 8), F32),
        ],
    )(aw, v_m, v_s)


def _gcn2(aw, w, dega, z_m):
    b = z_m.shape[0]

    def body(a_r, w_r, dega_r, zm_r, pred_r, acc2_r):
        i = pl.program_id(0)
        awb = a_r[...]
        a_lo = (awb & 1).astype(BF16)
        a_hi = (awb >> 16).astype(BF16)
        disa = _rsqrtz(dega_r[:, 0:1])
        wa = (disa * w_r[...]).astype(BF16)
        traw = lax.dot_general(
            a_lo, wa[:WPR], (((1,), (0,)), ((), ())),
            preferred_element_type=F32,
        ) + lax.dot_general(
            a_hi, wa[WPR:], (((1,), (0,)), ((), ())),
            preferred_element_type=F32,
        )
        degm = lax.dot_general(
            a_lo + a_hi, jnp.ones((WPR, 8), BF16), (((1,), (0,)), ((), ())),
            preferred_element_type=F32,
        )[:, 0:1]
        dm2 = jnp.where(degm > 0, 1.0 / degm, 0.0)
        y = (dm2 * traw).astype(BF16)
        contrib = jnp.concatenate([
            lax.dot_general(a_lo, y, (((0,), (0,)), ((), ())),
                            preferred_element_type=F32),
            lax.dot_general(a_hi, y, (((0,), (0,)), ((), ())),
                            preferred_element_type=F32),
        ], axis=0)

        @pl.when(i == 0)
        def _():
            acc2_r[...] = contrib

        @pl.when(i > 0)
        def _():
            acc2_r[...] += contrib

        @pl.when(i == NSTEP - 1)
        def _():
            out_s = 0.25 * (w_r[...] + disa * acc2_r[...])
            pred_r[...] = lax.dot_general(
                zm_r[...], out_s, (((1,), (1,)), ((), ())),
                preferred_element_type=F32,
            )

    return pl.pallas_call(
        body,
        grid=(NSTEP,),
        in_specs=[
            pl.BlockSpec((RBLK, WPR), lambda i: (i, 0)),
            pl.BlockSpec((NUM_API, FEAT), lambda i: (0, 0)),
            pl.BlockSpec((NUM_API, 8), lambda i: (0, 0)),
            pl.BlockSpec((b, FEAT), lambda i: (0, 0)),
        ],
        out_specs=pl.BlockSpec((b, NUM_API), lambda i: (0, 0)),
        out_shape=jax.ShapeDtypeStruct((b, NUM_API), F32),
        scratch_shapes=[pltpu.VMEM((NUM_API, FEAT), F32)],
    )(aw, w, dega, z_m)


def kernel(x, mashup_embed, api_embed, domain_embed, edge_index,
           W_sde, b_sde, W_val, b_val, W_key, b_key, W_sie, b_sie):
    e = edge_index.shape[1]
    e2 = e // 2
    src_half = edge_index[0]
    dst_half = edge_index[1]

    a_words = _build_adjacency_words(src_half, dst_half, e2)
    aw = a_words.reshape(NUM_MASHUP, WPR)

    b_sde2 = b_sde.reshape(1, FEAT)
    b_val2 = b_val.reshape(1, FEAT)
    b_key2 = b_key.reshape(1, FEAT)
    b_sie2 = b_sie.reshape(1, FEAT)

    z_m = _attention(x, domain_embed, W_sde, b_sde2, W_val, b_val2, W_key, b_key2)
    v_m = _proj(mashup_embed, W_sde, b_sde2, 1000)
    v_s = _proj(api_embed, W_sie, b_sie2, 1000)

    w, dega = _gcn1(aw, v_m, v_s)
    pred = _gcn2(aw, w, dega, z_m)
    return pred

# --- scband reference (transcript-rebuilt; emitter-appended) ---
"""Pipeline reference for scband-coacnnet-77146202571253 (READ-ONLY COPY).

The authoritative reference and input builder live on the scoring server;
editing this copy changes nothing except your own understanding.
"""

import jax, jax.numpy as jnp
import numpy as np

NUM_MASHUP = 8000
NUM_API = 2000
NUM_DOMAIN = 500
MASHUP_CH = 768
API_CH = 768
DOMAIN_CH = 768
FEAT = 128
BETA = 0.5
NUM_LAYERS = 3
BATCH = 1024
EDGES_PER_MASHUP = 32
NUM_NODES = NUM_MASHUP + NUM_API


def _make_edge_index():
    # Bipartite invoked_matrix -> symmetric adjacency A, then A.to_sparse().indices()
    rng = np.random.default_rng(0)
    m = rng.integers(0, NUM_MASHUP, NUM_MASHUP * EDGES_PER_MASHUP).astype(np.int64)
    a = rng.integers(0, NUM_API, NUM_MASHUP * EDGES_PER_MASHUP).astype(np.int64)
    pair = np.unique(m * NUM_API + a)
    m = pair // NUM_API
    a = pair % NUM_API
    src = np.concatenate([m, a + NUM_MASHUP])
    dst = np.concatenate([a + NUM_MASHUP, m])
    order = np.lexsort((dst, src))
    return jnp.asarray(np.stack([src[order], dst[order]]), dtype=jnp.int32)


def setup_inputs(seed: int = 0) -> dict:
    key = jax.random.key(seed)
    ks = jax.random.split(key, 16)
    s = 0.05
    inp = {}
    inp['x'] = jax.random.normal(ks[0], (BATCH, MASHUP_CH), dtype=jnp.float32)
    inp['mashup_embed'] = jax.random.normal(ks[1], (NUM_MASHUP, MASHUP_CH), dtype=jnp.float32)
    inp['api_embed'] = jax.random.normal(ks[2], (NUM_API, API_CH), dtype=jnp.float32)
    inp['domain_embed'] = jax.random.normal(ks[3], (NUM_DOMAIN, DOMAIN_CH), dtype=jnp.float32)
    inp['edge_index'] = _make_edge_index()
    inp['W_sde'] = jax.random.normal(ks[4], (MASHUP_CH, FEAT), dtype=jnp.float32) * s
    inp['b_sde'] = jax.random.normal(ks[5], (FEAT,), dtype=jnp.float32) * s
    inp['W_val'] = jax.random.normal(ks[6], (DOMAIN_CH, FEAT), dtype=jnp.float32) * s
    inp['b_val'] = jax.random.normal(ks[7], (FEAT,), dtype=jnp.float32) * s
    inp['W_key'] = jax.random.normal(ks[8], (DOMAIN_CH, FEAT), dtype=jnp.float32) * s
    inp['b_key'] = jax.random.normal(ks[9], (FEAT,), dtype=jnp.float32) * s
    inp['W_sie'] = jax.random.normal(ks[10], (API_CH, FEAT), dtype=jnp.float32) * s
    inp['b_sie'] = jax.random.normal(ks[11], (FEAT,), dtype=jnp.float32) * s
    return inp


def _lightgcn_embedding(embed, edge_index):
    # PyG LightGCN: out = sum_l alpha_l * x^(l), alpha_l = 1/(L+1), LGConv uses
    # sym gcn_norm without self loops: norm = d_src^-1/2 * d_dst^-1/2
    src = edge_index[0]
    dst = edge_index[1]
    ones = jnp.ones(src.shape[0], dtype=embed.dtype)
    deg = jax.ops.segment_sum(ones, dst, num_segments=NUM_NODES)
    dis = jnp.where(deg > 0, deg ** -0.5, 0.0)
    norm = dis[src] * dis[dst]
    alpha = 1.0 / (NUM_LAYERS + 1)
    out = embed * alpha
    h = embed
    for _ in range(NUM_LAYERS):
        msg = norm[:, None] * jnp.take(h, src, axis=0)
        h = jax.ops.segment_sum(msg, dst, num_segments=NUM_NODES)
        out = out + h * alpha
    return out


def reference(x, mashup_embed, api_embed, domain_embed, edge_index,
              W_sde, b_sde, W_val, b_val, W_key, b_key, W_sie, b_sie):
    B = x.shape[0]
    v_mi = jax.nn.sigmoid(x @ W_sde + b_sde)                      # [B, F]
    v_value = jax.nn.sigmoid(domain_embed @ W_val + b_val)        # [D, F]
    v_key = jax.nn.sigmoid(domain_embed @ W_key + b_key)          # [D, F]
    # matmul([B,1,1,F], [D,F,1]) -> [B,D,1,1] -> view(B, D)
    al = v_mi @ v_key.T                                            # [B, D]
    alpha_sum = jnp.sum(al, axis=1)
    alpha = al / alpha_sum[:, None]
    s_m = jnp.sum(alpha[:, :, None] * v_value[None, :, :], axis=1)  # [B, F]
    z_m = (1.0 - BETA) * s_m + BETA * v_mi                         # [B, F]
    v_m = jax.nn.sigmoid(mashup_embed @ W_sde + b_sde)             # [M, F]
    v_s = jax.nn.sigmoid(api_embed @ W_sie + b_sie)                # [S, F]
    embed = jnp.concatenate([v_m, v_s], axis=0)                    # [N, F]
    emb = _lightgcn_embedding(embed, edge_index)
    O = emb[-NUM_API:]                                             # [S, F]
    pred = z_m @ O.T                                               # [B, S]
    return pred

if __name__ == "__main__":
    import jax
    _d = setup_inputs()
    print(jax.jit(kernel)(*tuple(_d.values())))

</pallas_src>

<mosaic_0001>
#map = affine_map<(d0, d1) -> (0)>
module attributes {stable_mosaic.version = 14 : i64} {
  func.func @build(%arg0: i32, %arg1: i32, %arg2: memref<507902xi32, #tpu.memory_space<hbm>>, %arg3: memref<507902xi32, #tpu.memory_space<hbm>>, %arg4: memref<32000xi32, #tpu.memory_space<hbm>>, %arg5: memref<8000000xi32, #tpu.memory_space<hbm>>, %arg6: memref<12096xi32, #tpu.memory_space<vmem>>, %arg7: memref<12096xi32, #tpu.memory_space<vmem>>, %arg8: memref<64000xi32, #tpu.memory_space<vmem>>) attributes {dimension_semantics = [#tpu.dimension_semantics<core_parallel>, #tpu.dimension_semantics<subcore_parallel>], iteration_bounds = array<i64: 2, 16>, scalar_prefetch = 0 : i64, scratch_operands = 3 : i64, tpu.core_type = #tpu.core_type<sc_vector_subcore>, window_params = [{transform_indices = #map}, {transform_indices = #map}, {transform_indices = #map}, {transform_indices = #map}]} {
    %mul3A = arith.constant 2 : i32
    %mul3A_0 = arith.muli %arg1, %mul3A : i32
    %add3A = arith.addi %mul3A_0, %arg0 : i32
    %mul3A_1 = arith.constant 7936 : i32
    %mul3A_2 = arith.muli %add3A, %mul3A_1 : i32
    %sub3A = arith.constant 4096 : i32
    %sub3A_3 = arith.subi %mul3A_2, %sub3A : i32
    %max3A = arith.constant 0 : i32
    %max3A_4 = arith.maxsi %sub3A_3, %max3A : i32
    %multiple_of3A = tpu.assume_multiple %max3A_4, 32 : i32
    "tpu.region"() ({
      %run_scoped3A = tpu.sem_alloc : memref<!tpu.dma_semaphore, #tpu.memory_space<semaphore_mem>>
      %dma_start3A = tpu.memref_slice %arg2[%multiple_of3A] : memref<507902xi32, #tpu.memory_space<hbm>> -> memref<12096xi32, #tpu.memory_space<hbm>>
      %dma_start3A_64 = tpu.memref_slice %arg2[%multiple_of3A] : memref<507902xi32, #tpu.memory_space<hbm>> -> memref<12096xi32, #tpu.memory_space<hbm>>
      tpu.enqueue_dma source(%dma_start3A_64 : memref<12096xi32, #tpu.memory_space<hbm>>) target(%arg6 : memref<12096xi32, #tpu.memory_space<vmem>>) target_semaphore(%run_scoped3A : memref<!tpu.dma_semaphore, #tpu.memory_space<semaphore_mem>>)
      %dma_wait3A = tpu.memref_slice %arg2[%multiple_of3A] : memref<507902xi32, #tpu.memory_space<hbm>> -> memref<12096xi32, #tpu.memory_space<hbm>>
      %dma_wait3A_65 = tpu.memref_slice %arg2[%multiple_of3A] : memref<507902xi32, #tpu.memory_space<hbm>> -> memref<12096xi32, #tpu.memory_space<hbm>>
      tpu.wait_dma2 semaphore(%run_scoped3A : memref<!tpu.dma_semaphore, #tpu.memory_space<semaphore_mem>>) src(%dma_wait3A_65 : memref<12096xi32, #tpu.memory_space<hbm>>) dst(%arg6 : memref<12096xi32, #tpu.memory_space<vmem>>)
      tpu.yield
    }) : () -> ()
    "tpu.region"() ({
      %run_scoped3A = tpu.sem_alloc : memref<!tpu.dma_semaphore, #tpu.memory_space<semaphore_mem>>
      %dma_start3A = tpu.memref_slice %arg3[%multiple_of3A] : memref<507902xi32, #tpu.memory_space<hbm>> -> memref<12096xi32, #tpu.memory_space<hbm>>
      %dma_start3A_64 = tpu.memref_slice %arg3[%multiple_of3A] : memref<507902xi32, #tpu.memory_space<hbm>> -> memref<12096xi32, #tpu.memory_space<hbm>>
      tpu.enqueue_dma source(%dma_start3A_64 : memref<12096xi32, #tpu.memory_space<hbm>>) target(%arg7 : memref<12096xi32, #tpu.memory_space<vmem>>) target_semaphore(%run_scoped3A : memref<!tpu.dma_semaphore, #tpu.memory_space<semaphore_mem>>)
      %dma_wait3A = tpu.memref_slice %arg3[%multiple_of3A] : memref<507902xi32, #tpu.memory_space<hbm>> -> memref<12096xi32, #tpu.memory_space<hbm>>
      %dma_wait3A_65 = tpu.memref_slice %arg3[%multiple_of3A] : memref<507902xi32, #tpu.memory_space<hbm>> -> memref<12096xi32, #tpu.memory_space<hbm>>
      tpu.wait_dma2 semaphore(%run_scoped3A : memref<!tpu.dma_semaphore, #tpu.memory_space<semaphore_mem>>) src(%dma_wait3A_65 : memref<12096xi32, #tpu.memory_space<hbm>>) dst(%arg7 : memref<12096xi32, #tpu.memory_space<vmem>>)
      tpu.yield
    }) : () -> ()
    "tpu.region"() ({
      %run_scoped3A = tpu.sem_alloc : memref<!tpu.dma_semaphore, #tpu.memory_space<semaphore_mem>>
      %dma_start3A = arith.constant 0 : i32
      %dma_start3A_64 = tpu.memref_slice %arg8[%dma_start3A] : memref<64000xi32, #tpu.memory_space<vmem>> -> memref<32000xi32, #tpu.memory_space<vmem>>
      %dma_start3A_65 = arith.constant 0 : i32
      %dma_start3A_66 = tpu.memref_slice %arg8[%dma_start3A_65] : memref<64000xi32, #tpu.memory_space<vmem>> -> memref<32000xi32, #tpu.memory_space<vmem>>
      tpu.enqueue_dma source(%arg4 : memref<32000xi32, #tpu.memory_space<hbm>>) target(%dma_start3A_66 : memref<32000xi32, #tpu.memory_space<vmem>>) target_semaphore(%run_scoped3A : memref<!tpu.dma_semaphore, #tpu.memory_space<semaphore_mem>>)
      %dma_wait3A = arith.constant 0 : i32
      %dma_wait3A_67 = tpu.memref_slice %arg8[%dma_wait3A] : memref<64000xi32, #tpu.memory_space<vmem>> -> memref<32000xi32, #tpu.memory_space<vmem>>
      %dma_wait3A_68 = arith.constant 0 : i32
      %dma_wait3A_69 = tpu.memref_slice %arg8[%dma_wait3A_68] : memref<64000xi32, #tpu.memory_space<vmem>> -> memref<32000xi32, #tpu.memory_space<vmem>>
      tpu.wait_dma2 semaphore(%run_scoped3A : memref<!tpu.dma_semaphore, #tpu.memory_space<semaphore_mem>>) src(%arg4 : memref<32000xi32, #tpu.memory_space<hbm>>) dst(%dma_wait3A_69 : memref<32000xi32, #tpu.memory_space<vmem>>)
      tpu.yield
    }) : () -> ()
    "tpu.region"() ({
      %run_scoped3A = tpu.sem_alloc : memref<!tpu.dma_semaphore, #tpu.memory_space<semaphore_mem>>
      %dma_start3A = arith.constant 32000 : i32
      %dma_start3A_64 = tpu.memref_slice %arg8[%dma_start3A] : memref<64000xi32, #tpu.memory_space<vmem>> -> memref<32000xi32, #tpu.memory_space<vmem>>
      %dma_start3A_65 = arith.constant 32000 : i32
      %dma_start3A_66 = tpu.memref_slice %arg8[%dma_start3A_65] : memref<64000xi32, #tpu.memory_space<vmem>> -> memref<32000xi32, #tpu.memory_space<vmem>>
      tpu.enqueue_dma source(%arg4 : memref<32000xi32, #tpu.memory_space<hbm>>) target(%dma_start3A_66 : memref<32000xi32, #tpu.memory_space<vmem>>) target_semaphore(%run_scoped3A : memref<!tpu.dma_semaphore, #tpu.memory_space<semaphore_mem>>)
      %dma_wait3A = arith.constant 32000 : i32
      %dma_wait3A_67 = tpu.memref_slice %arg8[%dma_wait3A] : memref<64000xi32, #tpu.memory_space<vmem>> -> memref<32000xi32, #tpu.memory_space<vmem>>
      %dma_wait3A_68 = arith.constant 32000 : i32
      %dma_wait3A_69 = tpu.memref_slice %arg8[%dma_wait3A_68] : memref<64000xi32, #tpu.memory_space<vmem>> -> memref<32000xi32, #tpu.memory_space<vmem>>
      tpu.wait_dma2 semaphore(%run_scoped3A : memref<!tpu.dma_semaphore, #tpu.memory_space<semaphore_mem>>) src(%arg4 : memref<32000xi32, #tpu.memory_space<hbm>>) dst(%dma_wait3A_69 : memref<32000xi32, #tpu.memory_space<vmem>>)
      tpu.yield
    }) : () -> ()
    %iota3A = tpu.iota {dimensions = array<i32: 0>} : vector<16xi32>
    %broadcast_in_dim3A = arith.constant 1 : i32
    %broadcast_in_dim3A_5 = vector.broadcast %broadcast_in_dim3A : i32 to vector<16xi32>
    %broadcast_in_dim3A_6 = arith.constant 65536 : i32
    %broadcast_in_dim3A_7 = vector.broadcast %broadcast_in_dim3A_6 : i32 to vector<16xi32>
    %eq3A = arith.constant 0 : i32
    %eq3A_8 = arith.cmpi eq, %add3A, %eq3A : i32
    %sub3A_9 = arith.subi %mul3A_2, %multiple_of3A : i32
    %multiple_of3A_10 = tpu.assume_multiple %sub3A_9, 16 : i32
    %get3A = arith.index_cast %multiple_of3A_10 : i32 to index
    %get3A_11 = tpu.vector_load %arg6[%get3A] {strides = array<i32>} : memref<12096xi32, #tpu.memory_space<vmem>>, vector<16xi32>,
    %slice3A = vector.extract_strided_slice %get3A_11 {offsets = [0], sizes = [1], strides = [1]} : vector<16xi32> to vector<1xi32>
    %squeeze3A = vector.extract %slice3A[0] : i32 from vector<1xi32>
    %and3A = arith.constant -2 : i32
    %and3A_12 = arith.andi %squeeze3A, %and3A : i32
    %jit3A = arith.constant 0 : i32
    %select_n3A = arith.select %eq3A_8, %jit3A, %and3A_12 : i32
    %eq3A_13 = arith.constant 31 : i32
    %eq3A_14 = arith.cmpi eq, %add3A, %eq3A_13 : i32
    %add3A_15 = arith.constant 7936 : i32
    %add3A_16 = arith.addi %mul3A_2, %add3A_15 : i32
    %sub3A_17 = arith.subi %add3A_16, %multiple_of3A : i32
    %multiple_of3A_18 = tpu.assume_multiple %sub3A_17, 16 : i32
    %get3A_19 = arith.index_cast %multiple_of3A_18 : i32 to index
    %get3A_20 = tpu.vector_load %arg6[%get3A_19] {strides = array<i32>} : memref<12096xi32, #tpu.memory_space<vmem>>, vector<16xi32>,
    %slice3A_21 = vector.extract_strided_slice %get3A_20 {offsets = [0], sizes = [1], strides = [1]} : vector<16xi32> to vector<1xi32>
    %squeeze3A_22 = vector.extract %slice3A_21[0] : i32 from vector<1xi32>
    %and3A_23 = arith.constant -2 : i32
    %and3A_24 = arith.andi %squeeze3A_22, %and3A_23 : i32
    %jit3A_25 = arith.constant 8000 : i32
    %select_n3A_26 = arith.select %eq3A_14, %jit3A_25, %and3A_24 : i32
    %sub3A_27 = arith.subi %select_n3A_26, %select_n3A : i32
    %jit3A_28 = arith.constant 32 : i32
    %div3A = arith.divsi %sub3A_27, %jit3A_28 : i32
    %sign3A = arith.constant 0 : i32
    %sign3A_29 = arith.cmpi sgt, %sub3A_27, %sign3A : i32
    %sign3A_30 = arith.extui %sign3A_29 : i1 to i32
    %sign3A_31 = arith.constant 0 : i32
    %sign3A_32 = arith.cmpi slt, %sub3A_27, %sign3A_31 : i32
    %sign3A_33 = arith.extui %sign3A_32 : i1 to i32
    %sign3A_34 = arith.subi %sign3A_30, %sign3A_33 : i32
    %sign3A_35 = arith.constant 0 : i32
    %sign3A_36 = arith.cmpi sgt, %jit3A_28, %sign3A_35 : i32
    %sign3A_37 = arith.extui %sign3A_36 : i1 to i32
    %sign3A_38 = arith.constant 0 : i32
    %sign3A_39 = arith.cmpi slt, %jit3A_28, %sign3A_38 : i32
    %sign3A_40 = arith.extui %sign3A_39 : i1 to i32
    %sign3A_41 = arith.subi %sign3A_37, %sign3A_40 : i32
    %ne3A = arith.cmpi ne, %sign3A_34, %sign3A_41 : i32
    %rem3A = arith.remsi %sub3A_27, %jit3A_28 : i32
    %ne3A_42 = arith.constant 0 : i32
    %ne3A_43 = arith.cmpi ne, %rem3A, %ne3A_42 : i32
    %and3A_44 = arith.andi %ne3A, %ne3A_43 : i1
    %sub3A_45 = arith.constant 1 : i32
    %sub3A_46 = arith.subi %div3A, %sub3A_45 : i32
    %select_n3A_47 = arith.select %and3A_44, %sub3A_46, %div3A : i32
    %add3A_48 = arith.constant 756 : i32
    %add3A_49 = arith.addi %add3A_48, %select_n3A_47 : i32
    %add3A_50 = arith.constant 3 : i32
    %add3A_51 = arith.addi %add3A_49, %add3A_50 : i32
    %while3A = arith.constant 0 : i32
    %while3A_52 = arith.constant 0 : i32
    %while3A_53 = arith.constant 0 : i32
    %while3A_54 = arith.subi %add3A_51, %while3A : i32
    %while3A_55 = arith.addi %while3A, %while3A_54 : i32
    %while3A_56 = arith.constant 1 : i32
    %while3A_57 = arith.divsi %while3A_54, %while3A_56 : i32
    %while3A_58 = arith.muli %while3A_57, %while3A_56 : i32
    %while3A_59 = arith.addi %while3A, %while3A_58 : i32
    %while3A_60 = arith.constant 1 : i32
    %while3A_61:3 = scf.for %while3A_64 = %while3A to %while3A_59 step %while3A_60 iter_args(%while3A_65 = %select_n3A, %while3A_66 = %while3A_52, %while3A_67 = %while3A_53) -> (i32, i32, i32)  : i32 {
      %mul3A_68 = arith.constant 32000 : i32
      %mul3A_69 = arith.muli %while3A_67, %mul3A_68 : i32
      %sub3A_70 = arith.subi %select_n3A_26, %while3A_65 : i32
      %min3A = arith.constant 32 : i32
      %min3A_71 = arith.minsi %min3A, %sub3A_70 : i32
      %add3A_72 = arith.addi %while3A_65, %min3A_71 : i32
      %lt3A = arith.cmpi slt, %while3A_65, %select_n3A_26 : i32
      %min3A_73 = arith.constant 755 : i32
      %min3A_74 = arith.minsi %while3A_66, %min3A_73 : i32
      %mul3A_75 = arith.constant 16 : i32
      %mul3A_76 = arith.muli %min3A_74, %mul3A_75 : i32
      %multiple_of3A_77 = tpu.assume_multiple %mul3A_76, 16 : i32
      %get3A_78 = arith.index_cast %multiple_of3A_77 : i32 to index
      %get3A_79 = tpu.vector_load %arg6[%get3A_78] {strides = array<i32>} : memref<12096xi32, #tpu.memory_space<vmem>>, vector<16xi32>,
      %get3A_80 = arith.index_cast %multiple_of3A_77 : i32 to index
      %get3A_81 = tpu.vector_load %arg7[%get3A_80] {strides = array<i32>} : memref<12096xi32, #tpu.memory_space<vmem>>, vector<16xi32>,
      %sub3A_82 = arith.constant 8000 : i32
      %sub3A_83 = vector.broadcast %sub3A_82 : i32 to vector<16xi32>
      %sub3A_84 = arith.subi %get3A_81, %sub3A_83 : vector<16xi32>
      %add3A_85 = arith.addi %multiple_of3A, %multiple_of3A_77 : i32
      %add3A_86 = vector.broadcast %add3A_85 : i32 to vector<16xi32>
      %add3A_87 = arith.addi %add3A_86, %iota3A : vector<16xi32>
      %lt3A_88 = arith.constant 756 : i32
      %lt3A_89 = arith.cmpi slt, %while3A_66, %lt3A_88 : i32
      %and3A_90 = arith.andi %lt3A_89, %lt3A : i1
      %lt3A_91 = arith.constant 253951 : i32
      %lt3A_92 = vector.broadcast %lt3A_91 : i32 to vector<16xi32>
      %lt3A_93 = arith.cmpi slt, %add3A_87, %lt3A_92 : vector<16xi32>
      %jit3A_94 = arith.constant 8000 : i32
      %broadcast_in_dim3A_95 = vector.broadcast %jit3A_94 : i32 to vector<16xi32>
      %select_n3A_96 = arith.select %lt3A_93, %get3A_79, %broadcast_in_dim3A_95 : vector<16xi1>, vector<16xi32>
      %convert_element_type3A = arith.extui %and3A_90 : i1 to i32
      %sub3A_97 = arith.constant 1 : i32
      %sub3A_98 = arith.subi %sub3A_97, %convert_element_type3A : i32
      %mul3A_99 = arith.constant 8000 : i32
      %mul3A_100 = arith.muli %sub3A_98, %mul3A_99 : i32
      %add3A_101 = vector.broadcast %mul3A_100 : i32 to vector<16xi32>
      %add3A_102 = arith.addi %select_n3A_96, %add3A_101 : vector<16xi32>
      %ge3A = vector.broadcast %while3A_65 : i32 to vector<16xi32>
      %ge3A_103 = arith.cmpi sge, %add3A_102, %ge3A : vector<16xi32>
      %lt3A_104 = vector.broadcast %add3A_72 : i32 to vector<16xi32>
      %lt3A_105 = arith.cmpi slt, %add3A_102, %lt3A_104 : vector<16xi32>
      %and3A_106 = arith.andi %ge3A_103, %lt3A_105 : vector<16xi1>
      %lt3A_107 = arith.constant 1000 : i32
      %lt3A_108 = vector.broadcast %lt3A_107 : i32 to vector<16xi32>
      %lt3A_109 = arith.cmpi slt, %sub3A_84, %lt3A_108 : vector<16xi32>
      %sub3A_110 = arith.constant 1000 : i32
      %sub3A_111 = vector.broadcast %sub3A_110 : i32 to vector<16xi32>
      %sub3A_112 = arith.subi %sub3A_84, %sub3A_111 : vector<16xi32>
      %select_n3A_113 = arith.select %lt3A_109, %sub3A_84, %sub3A_112 : vector<16xi1>, vector<16xi32>
      %sub3A_114 = vector.broadcast %while3A_65 : i32 to vector<16xi32>
      %sub3A_115 = arith.subi %add3A_102, %sub3A_114 : vector<16xi32>
      %mul3A_116 = arith.constant 1000 : i32
      %mul3A_117 = vector.broadcast %mul3A_116 : i32 to vector<16xi32>
      %mul3A_118 = arith.muli %sub3A_115, %mul3A_117 : vector<16xi32>
      %add3A_119 = arith.addi %mul3A_118, %select_n3A_113 : vector<16xi32>
      %jit3A_120 = arith.constant 0 : i32
      %broadcast_in_dim3A_121 = vector.broadcast %jit3A_120 : i32 to vector<16xi32>
      %select_n3A_122 = arith.select %and3A_106, %add3A_119, %broadcast_in_dim3A_121 : vector<16xi1>, vector<16xi32>
      %add3A_123 = vector.broadcast %mul3A_69 : i32 to vector<16xi32>
      %add3A_124 = arith.addi %select_n3A_122, %add3A_123 : vector<16xi32>
      %lt3A_125 = arith.constant 1000 : i32
      %lt3A_126 = vector.broadcast %lt3A_125 : i32 to vector<16xi32>
      %lt3A_127 = arith.cmpi slt, %sub3A_84, %lt3A_126 : vector<16xi32>
      %and3A_128 = arith.andi %and3A_106, %lt3A_127 : vector<16xi1>
      %lt3A_129 = arith.constant 1000 : i32
      %lt3A_130 = vector.broadcast %lt3A_129 : i32 to vector<16xi32>
      %lt3A_131 = arith.cmpi slt, %sub3A_84, %lt3A_130 : vector<16xi32>
      %not3A = arith.constant dense<true> : vector<16xi1>
      %not3A_132 = arith.xori %lt3A_131, %not3A : vector<16xi1>
      %and3A_133 = arith.andi %and3A_106, %not3A_132 : vector<16xi1>
      tpu.vector_store_idx %arg8[%add3A_124], %broadcast_in_dim3A_5 masked %and3A_128 {add = true} : memref<64000xi32, #tpu.memory_space<vmem>>[vector<16xi32>], vector<16xi32>, vector<16xi1>
      tpu.vector_store_idx %arg8[%add3A_124], %broadcast_in_dim3A_7 masked %and3A_133 {add = true} : memref<64000xi32, #tpu.memory_space<vmem>>[vector<16xi32>], vector<16xi32>, vector<16xi1>
      %slice3A_134 = vector.extract_strided_slice %add3A_102 {offsets = [15], sizes = [1], strides = [1]} : vector<16xi32> to vector<1xi32>
      %squeeze3A_135 = vector.extract %slice3A_134[0] : i32 from vector<1xi32>
      %lt3A_136 = arith.cmpi slt, %squeeze3A_135, %add3A_72 : i32
      %not3A_137 = arith.constant true
      %not3A_138 = arith.xori %lt3A_136, %not3A_137 : i1
      %and3A_139 = arith.andi %not3A_138, %lt3A : i1
      %convert_element_type3A_140 = arith.extui %and3A_139 : i1 to i32
      %cond3A = arith.constant 0 : i32
      %cond3A_141 = arith.cmpi ne, %convert_element_type3A_140, %cond3A : i32
      scf.if %cond3A_141 {
        %delay3A = arith.constant 200 : i32
        tpu.delay %delay3A
        %and3A_150 = arith.constant -64 : i32
        %and3A_151 = arith.andi %min3A_71, %and3A_150 : i32
        %and3A_152 = arith.constant 32 : i32
        %and3A_153 = arith.andi %min3A_71, %and3A_152 : i32
        %ne3A_154 = arith.constant 0 : i32
        %ne3A_155 = arith.cmpi ne, %and3A_153, %ne3A_154 : i32
        %convert_element_type3A_156 = arith.extui %ne3A_155 : i1 to i32
        %cond3A_157 = arith.constant 0 : i32
        %cond3A_158 = arith.cmpi ne, %convert_element_type3A_156, %cond3A_157 : i32
        scf.if %cond3A_158 {
          %mul3A_196 = arith.constant 1000 : i32
          %mul3A_197 = arith.muli %and3A_151, %mul3A_196 : i32
          %add3A_198 = arith.addi %mul3A_69, %mul3A_197 : i32
          %multiple_of3A_199 = tpu.assume_multiple %add3A_198, 8 : i32
          %add3A_200 = arith.addi %while3A_65, %and3A_151 : i32
          %mul3A_201 = arith.constant 1000 : i32
          %mul3A_202 = arith.muli %add3A_200, %mul3A_201 : i32
          %multiple_of3A_203 = tpu.assume_multiple %mul3A_202, 8 : i32
          "tpu.region"() ({
            %run_scoped3A = tpu.sem_alloc : memref<!tpu.dma_semaphore, #tpu.memory_space<semaphore_mem>>
            %dma_start3A = tpu.memref_slice %arg8[%multiple_of3A_199] : memref<64000xi32, #tpu.memory_space<vmem>> -> memref<32000xi32, #tpu.memory_space<vmem>>
            %dma_start3A_204 = tpu.memref_slice %arg5[%multiple_of3A_203] : memref<8000000xi32, #tpu.memory_space<hbm>> -> memref<32000xi32, #tpu.memory_space<hbm>>
            %dma_start3A_205 = tpu.memref_slice %arg5[%multiple_of3A_203] : memref<8000000xi32, #tpu.memory_space<hbm>> -> memref<32000xi32, #tpu.memory_space<hbm>>
            %dma_start3A_206 = tpu.memref_slice %arg8[%multiple_of3A_199] : memref<64000xi32, #tpu.memory_space<vmem>> -> memref<32000xi32, #tpu.memory_space<vmem>>
            tpu.enqueue_dma source(%dma_start3A_206 : memref<32000xi32, #tpu.memory_space<vmem>>) target(%dma_start3A_205 : memref<32000xi32, #tpu.memory_space<hbm>>) target_semaphore(%run_scoped3A : memref<!tpu.dma_semaphore, #tpu.memory_space<semaphore_mem>>)
            %dma_wait3A = tpu.memref_slice %arg8[%multiple_of3A_199] : memref<64000xi32, #tpu.memory_space<vmem>> -> memref<32000xi32, #tpu.memory_space<vmem>>
            %dma_wait3A_207 = tpu.memref_slice %arg5[%multiple_of3A_203] : memref<8000000xi32, #tpu.memory_space<hbm>> -> memref<32000xi32, #tpu.memory_space<hbm>>
            %dma_wait3A_208 = tpu.memref_slice %arg5[%multiple_of3A_203] : memref<8000000xi32, #tpu.memory_space<hbm>> -> memref<32000xi32, #tpu.memory_space<hbm>>
            %dma_wait3A_209 = tpu.memref_slice %arg8[%multiple_of3A_199] : memref<64000xi32, #tpu.memory_space<vmem>> -> memref<32000xi32, #tpu.memory_space<vmem>>
            tpu.wait_dma2 semaphore(%run_scoped3A : memref<!tpu.dma_semaphore, #tpu.memory_space<semaphore_mem>>) src(%dma_wait3A_209 : memref<32000xi32, #tpu.memory_space<vmem>>) dst(%dma_wait3A_208 : memref<32000xi32, #tpu.memory_space<hbm>>)
            tpu.yield
          }) : () -> ()
        } else {
        }
        %and3A_159 = arith.constant -32 : i32
        %and3A_160 = arith.andi %min3A_71, %and3A_159 : i32
        %and3A_161 = arith.constant 16 : i32
        %and3A_162 = arith.andi %min3A_71, %and3A_161 : i32
        %ne3A_163 = arith.constant 0 : i32
        %ne3A_164 = arith.cmpi ne, %and3A_162, %ne3A_163 : i32
        %convert_element_type3A_165 = arith.extui %ne3A_164 : i1 to i32
        %cond3A_166 = arith.constant 0 : i32
        %cond3A_167 = arith.cmpi ne, %convert_element_type3A_165, %cond3A_166 : i32
        scf.if %cond3A_167 {
          %mul3A_196 = arith.constant 1000 : i32
          %mul3A_197 = arith.muli %and3A_160, %mul3A_196 : i32
          %add3A_198 = arith.addi %mul3A_69, %mul3A_197 : i32
          %multiple_of3A_199 = tpu.assume_multiple %add3A_198, 8 : i32
          %add3A_200 = arith.addi %while3A_65, %and3A_160 : i32
          %mul3A_201 = arith.constant 1000 : i32
          %mul3A_202 = arith.muli %add3A_200, %mul3A_201 : i32
          %multiple_of3A_203 = tpu.assume_multiple %mul3A_202, 8 : i32
          "tpu.region"() ({
            %run_scoped3A = tpu.sem_alloc : memref<!tpu.dma_semaphore, #tpu.memory_space<semaphore_mem>>
            %dma_start3A = tpu.memref_slice %arg8[%multiple_of3A_199] : memref<64000xi32, #tpu.memory_space<vmem>> -> memref<16000xi32, #tpu.memory_space<vmem>>
            %dma_start3A_204 = tpu.memref_slice %arg5[%multiple_of3A_203] : memref<8000000xi32, #tpu.memory_space<hbm>> -> memref<16000xi32, #tpu.memory_space<hbm>>
            %dma_start3A_205 = tpu.memref_slice %arg5[%multiple_of3A_203] : memref<8000000xi32, #tpu.memory_space<hbm>> -> memref<16000xi32, #tpu.memory_space<hbm>>
            %dma_start3A_206 = tpu.memref_slice %arg8[%multiple_of3A_199] : memref<64000xi32, #tpu.memory_space<vmem>> -> memref<16000xi32, #tpu.memory_space<vmem>>
            tpu.enqueue_dma source(%dma_start3A_206 : memref<16000xi32, #tpu.memory_space<vmem>>) target(%dma_start3A_205 : memref<16000xi32, #tpu.memory_space<hbm>>) target_semaphore(%run_scoped3A : memref<!tpu.dma_semaphore, #tpu.memory_space<semaphore_mem>>)
            %dma_wait3A = tpu.memref_slice %arg8[%multiple_of3A_199] : memref<64000xi32, #tpu.memory_space<vmem>> -> memref<16000xi32, #tpu.memory_space<vmem>>
            %dma_wait3A_207 = tpu.memref_slice %arg5[%multiple_of3A_203] : memref<8000000xi32, #tpu.memory_space<hbm>> -> memref<16000xi32, #tpu.memory_space<hbm>>
            %dma_wait3A_208 = tpu.memref_slice %arg5[%multiple_of3A_203] : memref<8000000xi32, #tpu.memory_space<hbm>> -> memref<16000xi32, #tpu.memory_space<hbm>>
            %dma_wait3A_209 = tpu.memref_slice %arg8[%multiple_of3A_199] : memref<64000xi32, #tpu.memory_space<vmem>> -> memref<16000xi32, #tpu.memory_space<vmem>>
            tpu.wait_dma2 semaphore(%run_scoped3A : memref<!tpu.dma_semaphore, #tpu.memory_space<semaphore_mem>>) src(%dma_wait3A_209 : memref<16000xi32, #tpu.memory_space<vmem>>) dst(%dma_wait3A_208 : memref<16000xi32, #tpu.memory_space<hbm>>)
            tpu.yield
          }) : () -> ()
        } else {
        }
        %and3A_168 = arith.constant -16 : i32
        %and3A_169 = arith.andi %min3A_71, %and3A_168 : i32
        %and3A_170 = arith.constant 8 : i32
        %and3A_171 = arith.andi %min3A_71, %and3A_170 : i32
        %ne3A_172 = arith.constant 0 : i32
        %ne3A_173 = arith.cmpi ne, %and3A_171, %ne3A_172 : i32
        %convert_element_type3A_174 = arith.extui %ne3A_173 : i1 to i32
        %cond3A_175 = arith.constant 0 : i32
        %cond3A_176 = arith.cmpi ne, %convert_element_type3A_174, %cond3A_175 : i32
        scf.if %cond3A_176 {
          %mul3A_196 = arith.constant 1000 : i32
          %mul3A_197 = arith.muli %and3A_169, %mul3A_196 : i32
          %add3A_198 = arith.addi %mul3A_69, %mul3A_197 : i32
          %multiple_of3A_199 = tpu.assume_multiple %add3A_198, 8 : i32
          %add3A_200 = arith.addi %while3A_65, %and3A_169 : i32
          %mul3A_201 = arith.constant 1000 : i32
          %mul3A_202 = arith.muli %add3A_200, %mul3A_201 : i32
          %multiple_of3A_203 = tpu.assume_multiple %mul3A_202, 8 : i32
          "tpu.region"() ({
            %run_scoped3A = tpu.sem_alloc : memref<!tpu.dma_semaphore, #tpu.memory_space<semaphore_mem>>
            %dma_start3A = tpu.memref_slice %arg8[%multiple_of3A_199] : memref<64000xi32, #tpu.memory_space<vmem>> -> memref<8000xi32, #tpu.memory_space<vmem>>
            %dma_start3A_204 = tpu.memref_slice %arg5[%multiple_of3A_203] : memref<8000000xi32, #tpu.memory_space<hbm>> -> memref<8000xi32, #tpu.memory_space<hbm>>
            %dma_start3A_205 = tpu.memref_slice %arg5[%multiple_of3A_203] : memref<8000000xi32, #tpu.memory_space<hbm>> -> memref<8000xi32, #tpu.memory_space<hbm>>
            %dma_start3A_206 = tpu.memref_slice %arg8[%multiple_of3A_199] : memref<64000xi32, #tpu.memory_space<vmem>> -> memref<8000xi32, #tpu.memory_space<vmem>>
            tpu.enqueue_dma source(%dma_start3A_206 : memref<8000xi32, #tpu.memory_space<vmem>>) target(%dma_start3A_205 : memref<8000xi32, #tpu.memory_space<hbm>>) target_semaphore(%run_scoped3A : memref<!tpu.dma_semaphore, #tpu.memory_space<semaphore_mem>>)
            %dma_wait3A = tpu.memref_slice %arg8[%multiple_of3A_199] : memref<64000xi32, #tpu.memory_space<vmem>> -> memref<8000xi32, #tpu.memory_space<vmem>>
            %dma_wait3A_207 = tpu.memref_slice %arg5[%multiple_of3A_203] : memref<8000000xi32, #tpu.memory_space<hbm>> -> memref<8000xi32, #tpu.memory_space<hbm>>
            %dma_wait3A_208 = tpu.memref_slice %arg5[%multiple_of3A_203] : memref<8000000xi32, #tpu.memory_space<hbm>> -> memref<8000xi32, #tpu.memory_space<hbm>>
            %dma_wait3A_209 = tpu.memref_slice %arg8[%multiple_of3A_199] : memref<64000xi32, #tpu.memory_space<vmem>> -> memref<8000xi32, #tpu.memory_space<vmem>>
            tpu.wait_dma2 semaphore(%run_scoped3A : memref<!tpu.dma_semaphore, #tpu.memory_space<semaphore_mem>>) src(%dma_wait3A_209 : memref<8000xi32, #tpu.memory_space<vmem>>) dst(%dma_wait3A_208 : memref<8000xi32, #tpu.memory_space<hbm>>)
            tpu.yield
          }) : () -> ()
        } else {
        }
        %and3A_177 = arith.constant -8 : i32
        %and3A_178 = arith.andi %min3A_71, %and3A_177 : i32
        %and3A_179 = arith.constant 4 : i32
        %and3A_180 = arith.andi %min3A_71, %and3A_179 : i32
        %ne3A_181 = arith.constant 0 : i32
        %ne3A_182 = arith.cmpi ne, %and3A_180, %ne3A_181 : i32
        %convert_element_type3A_183 = arith.extui %ne3A_182 : i1 to i32
        %cond3A_184 = arith.constant 0 : i32
        %cond3A_185 = arith.cmpi ne, %convert_element_type3A_183, %cond3A_184 : i32
        scf.if %cond3A_185 {
          %mul3A_196 = arith.constant 1000 : i32
          %mul3A_197 = arith.muli %and3A_178, %mul3A_196 : i32
          %add3A_198 = arith.addi %mul3A_69, %mul3A_197 : i32
          %multiple_of3A_199 = tpu.assume_multiple %add3A_198, 8 : i32
          %add3A_200 = arith.addi %while3A_65, %and3A_178 : i32
          %mul3A_201 = arith.constant 1000 : i32
          %mul3A_202 = arith.muli %add3A_200, %mul3A_201 : i32
          %multiple_of3A_203 = tpu.assume_multiple %mul3A_202, 8 : i32
          "tpu.region"() ({
            %run_scoped3A = tpu.sem_alloc : memref<!tpu.dma_semaphore, #tpu.memory_space<semaphore_mem>>
            %dma_start3A = tpu.memref_slice %arg8[%multiple_of3A_199] : memref<64000xi32, #tpu.memory_space<vmem>> -> memref<4000xi32, #tpu.memory_space<vmem>>
            %dma_start3A_204 = tpu.memref_slice %arg5[%multiple_of3A_203] : memref<8000000xi32, #tpu.memory_space<hbm>> -> memref<4000xi32, #tpu.memory_space<hbm>>
            %dma_start3A_205 = tpu.memref_slice %arg5[%multiple_of3A_203] : memref<8000000xi32, #tpu.memory_space<hbm>> -> memref<4000xi32, #tpu.memory_space<hbm>>
            %dma_start3A_206 = tpu.memref_slice %arg8[%multiple_of3A_199] : memref<64000xi32, #tpu.memory_space<vmem>> -> memref<4000xi32, #tpu.memory_space<vmem>>
            tpu.enqueue_dma source(%dma_start3A_206 : memref<4000xi32, #tpu.memory_space<vmem>>) target(%dma_start3A_205 : memref<4000xi32, #tpu.memory_space<hbm>>) target_semaphore(%run_scoped3A : memref<!tpu.dma_semaphore, #tpu.memory_space<semaphore_mem>>)
            %dma_wait3A = tpu.memref_slice %arg8[%multiple_of3A_199] : memref<64000xi32, #tpu.memory_space<vmem>> -> memref<4000xi32, #tpu.memory_space<vmem>>
            %dma_wait3A_207 = tpu.memref_slice %arg5[%multiple_of3A_203] : memref<8000000xi32, #tpu.memory_space<hbm>> -> memref<4000xi32, #tpu.memory_space<hbm>>
            %dma_wait3A_208 = tpu.memref_slice %arg5[%multiple_of3A_203] : memref<8000000xi32, #tpu.memory_space<hbm>> -> memref<4000xi32, #tpu.memory_space<hbm>>
            %dma_wait3A_209 = tpu.memref_slice %arg8[%multiple_of3A_199] : memref<64000xi32, #tpu.memory_space<vmem>> -> memref<4000xi32, #tpu.memory_space<vmem>>
            tpu.wait_dma2 semaphore(%run_scoped3A : memref<!tpu.dma_semaphore, #tpu.memory_space<semaphore_mem>>) src(%dma_wait3A_209 : memref<4000xi32, #tpu.memory_space<vmem>>) dst(%dma_wait3A_208 : memref<4000xi32, #tpu.memory_space<hbm>>)
            tpu.yield
          }) : () -> ()
        } else {
        }
        %and3A_186 = arith.constant -4 : i32
        %and3A_187 = arith.andi %min3A_71, %and3A_186 : i32
        %and3A_188 = arith.constant 2 : i32
        %and3A_189 = arith.andi %min3A_71, %and3A_188 : i32
        %ne3A_190 = arith.constant 0 : i32
        %ne3A_191 = arith.cmpi ne, %and3A_189, %ne3A_190 : i32
        %convert_element_type3A_192 = arith.extui %ne3A_191 : i1 to i32
        %cond3A_193 = arith.constant 0 : i32
        %cond3A_194 = arith.cmpi ne, %convert_element_type3A_192, %cond3A_193 : i32
        scf.if %cond3A_194 {
          %mul3A_196 = arith.constant 1000 : i32
          %mul3A_197 = arith.muli %and3A_187, %mul3A_196 : i32
          %add3A_198 = arith.addi %mul3A_69, %mul3A_197 : i32
          %multiple_of3A_199 = tpu.assume_multiple %add3A_198, 8 : i32
          %add3A_200 = arith.addi %while3A_65, %and3A_187 : i32
          %mul3A_201 = arith.constant 1000 : i32
          %mul3A_202 = arith.muli %add3A_200, %mul3A_201 : i32
          %multiple_of3A_203 = tpu.assume_multiple %mul3A_202, 8 : i32
          "tpu.region"() ({
            %run_scoped3A = tpu.sem_alloc : memref<!tpu.dma_semaphore, #tpu.memory_space<semaphore_mem>>
            %dma_start3A = tpu.memref_slice %arg8[%multiple_of3A_199] : memref<64000xi32, #tpu.memory_space<vmem>> -> memref<2000xi32, #tpu.memory_space<vmem>>
            %dma_start3A_204 = tpu.memref_slice %arg5[%multiple_of3A_203] : memref<8000000xi32, #tpu.memory_space<hbm>> -> memref<2000xi32, #tpu.memory_space<hbm>>
            %dma_start3A_205 = tpu.memref_slice %arg5[%multiple_of3A_203] : memref<8000000xi32, #tpu.memory_space<hbm>> -> memref<2000xi32, #tpu.memory_space<hbm>>
            %dma_start3A_206 = tpu.memref_slice %arg8[%multiple_of3A_199] : memref<64000xi32, #tpu.memory_space<vmem>> -> memref<2000xi32, #tpu.memory_space<vmem>>
            tpu.enqueue_dma source(%dma_start3A_206 : memref<2000xi32, #tpu.memory_space<vmem>>) target(%dma_start3A_205 : memref<2000xi32, #tpu.memory_space<hbm>>) target_semaphore(%run_scoped3A : memref<!tpu.dma_semaphore, #tpu.memory_space<semaphore_mem>>)
            %dma_wait3A = tpu.memref_slice %arg8[%multiple_of3A_199] : memref<64000xi32, #tpu.memory_space<vmem>> -> memref<2000xi32, #tpu.memory_space<vmem>>
            %dma_wait3A_207 = tpu.memref_slice %arg5[%multiple_of3A_203] : memref<8000000xi32, #tpu.memory_space<hbm>> -> memref<2000xi32, #tpu.memory_space<hbm>>
            %dma_wait3A_208 = tpu.memref_slice %arg5[%multiple_of3A_203] : memref<8000000xi32, #tpu.memory_space<hbm>> -> memref<2000xi32, #tpu.memory_space<hbm>>
            %dma_wait3A_209 = tpu.memref_slice %arg8[%multiple_of3A_199] : memref<64000xi32, #tpu.memory_space<vmem>> -> memref<2000xi32, #tpu.memory_space<vmem>>
            tpu.wait_dma2 semaphore(%run_scoped3A : memref<!tpu.dma_semaphore, #tpu.memory_space<semaphore_mem>>) src(%dma_wait3A_209 : memref<2000xi32, #tpu.memory_space<vmem>>) dst(%dma_wait3A_208 : memref<2000xi32, #tpu.memory_space<hbm>>)
            tpu.yield
          }) : () -> ()
        } else {
        }
        %multiple_of3A_195 = tpu.assume_multiple %mul3A_69, 8 : i32
        "tpu.region"() ({
          %run_scoped3A = tpu.sem_alloc : memref<!tpu.dma_semaphore, #tpu.memory_space<semaphore_mem>>
          %dma_start3A = tpu.memref_slice %arg8[%multiple_of3A_195] : memref<64000xi32, #tpu.memory_space<vmem>> -> memref<32000xi32, #tpu.memory_space<vmem>>
          %dma_start3A_196 = tpu.memref_slice %arg8[%multiple_of3A_195] : memref<64000xi32, #tpu.memory_space<vmem>> -> memref<32000xi32, #tpu.memory_space<vmem>>
          tpu.enqueue_dma source(%arg4 : memref<32000xi32, #tpu.memory_space<hbm>>) target(%dma_start3A_196 : memref<32000xi32, #tpu.memory_space<vmem>>) target_semaphore(%run_scoped3A : memref<!tpu.dma_semaphore, #tpu.memory_space<semaphore_mem>>)
          %dma_wait3A = tpu.memref_slice %arg8[%multiple_of3A_195] : memref<64000xi32, #tpu.memory_space<vmem>> -> memref<32000xi32, #tpu.memory_space<vmem>>
          %dma_wait3A_197 = tpu.memref_slice %arg8[%multiple_of3A_195] : memref<64000xi32, #tpu.memory_space<vmem>> -> memref<32000xi32, #tpu.memory_space<vmem>>
          tpu.wait_dma2 semaphore(%run_scoped3A : memref<!tpu.dma_semaphore, #tpu.memory_space<semaphore_mem>>) src(%arg4 : memref<32000xi32, #tpu.memory_space<hbm>>) dst(%dma_wait3A_197 : memref<32000xi32, #tpu.memory_space<vmem>>)
          tpu.yield
        }) : () -> ()
      } else {
      }
      %add3A_142 = arith.addi %while3A_65, %min3A_71 : i32
      %select_n3A_143 = arith.select %and3A_139, %add3A_142, %while3A_65 : i32
      %add3A_144 = arith.constant 1 : i32
      %add3A_145 = arith.addi %while3A_66, %add3A_144 : i32
      %select_n3A_146 = arith.select %lt3A_136, %add3A_145, %while3A_66 : i32
      %sub3A_147 = arith.constant 1 : i32
      %sub3A_148 = arith.subi %sub3A_147, %while3A_67 : i32
      %select_n3A_149 = arith.select %and3A_139, %sub3A_148, %while3A_67 : i32
      scf.yield %select_n3A_143, %select_n3A_146, %select_n3A_149 : i32, i32, i32
    }
    %while3A_62 = arith.constant 1 : i32
    %while3A_63:3 = scf.for %while3A_64 = %while3A_59 to %while3A_55 step %while3A_62 iter_args(%while3A_65 = %while3A_61#0, %while3A_66 = %while3A_61#1, %while3A_67 = %while3A_61#2) -> (i32, i32, i32)  : i32 {
      %mul3A_68 = arith.constant 32000 : i32
      %mul3A_69 = arith.muli %while3A_67, %mul3A_68 : i32
      %sub3A_70 = arith.subi %select_n3A_26, %while3A_65 : i32
      %min3A = arith.constant 32 : i32
      %min3A_71 = arith.minsi %min3A, %sub3A_70 : i32
      %add3A_72 = arith.addi %while3A_65, %min3A_71 : i32
      %lt3A = arith.cmpi slt, %while3A_65, %select_n3A_26 : i32
      %min3A_73 = arith.constant 755 : i32
      %min3A_74 = arith.minsi %while3A_66, %min3A_73 : i32
      %mul3A_75 = arith.constant 16 : i32
      %mul3A_76 = arith.muli %min3A_74, %mul3A_75 : i32
      %multiple_of3A_77 = tpu.assume_multiple %mul3A_76, 16 : i32
      %get3A_78 = arith.index_cast %multiple_of3A_77 : i32 to index
      %get3A_79 = tpu.vector_load %arg6[%get3A_78] {strides = array<i32>} : memref<12096xi32, #tpu.memory_space<vmem>>, vector<16xi32>,
      %get3A_80 = arith.index_cast %multiple_of3A_77 : i32 to index
      %get3A_81 = tpu.vector_load %arg7[%get3A_80] {strides = array<i32>} : memref<12096xi32, #tpu.memory_space<vmem>>, vector<16xi32>,
      %sub3A_82 = arith.constant 8000 : i32
      %sub3A_83 = vector.broadcast %sub3A_82 : i32 to vector<16xi32>
      %sub3A_84 = arith.subi %get3A_81, %sub3A_83 : vector<16xi32>
      %add3A_85 = arith.addi %multiple_of3A, %multiple_of3A_77 : i32
      %add3A_86 = vector.broadcast %add3A_85 : i32 to vector<16xi32>
      %add3A_87 = arith.addi %add3A_86, %iota3A : vector<16xi32>
      %lt3A_88 = arith.constant 756 : i32
      %lt3A_89 = arith.cmpi slt, %while3A_66, %lt3A_88 : i32
      %and3A_90 = arith.andi %lt3A_89, %lt3A : i1
      %lt3A_91 = arith.constant 253951 : i32
      %lt3A_92 = vector.broadcast %lt3A_91 : i32 to vector<16xi32>
      %lt3A_93 = arith.cmpi slt, %add3A_87, %lt3A_92 : vector<16xi32>
      %jit3A_94 = arith.constant 8000 : i32
      %broadcast_in_dim3A_95 = vector.broadcast %jit3A_94 : i32 to vector<16xi32>
      %select_n3A_96 = arith.select %lt3A_93, %get3A_79, %broadcast_in_dim3A_95 : vector<16xi1>, vector<16xi32>
      %convert_element_type3A = arith.extui %and3A_90 : i1 to i32
      %sub3A_97 = arith.constant 1 : i32
      %sub3A_98 = arith.subi %sub3A_97, %convert_element_type3A : i32
      %mul3A_99 = arith.constant 8000 : i32
      %mul3A_100 = arith.muli %sub3A_98, %mul3A_99 : i32
      %add3A_101 = vector.broadcast %mul3A_100 : i32 to vector<16xi32>
      %add3A_102 = arith.addi %select_n3A_96, %add3A_101 : vector<16xi32>
      %ge3A = vector.broadcast %while3A_65 : i32 to vector<16xi32>
      %ge3A_103 = arith.cmpi sge, %add3A_102, %ge3A : vector<16xi32>
      %lt3A_104 = vector.broadcast %add3A_72 : i32 to vector<16xi32>
      %lt3A_105 = arith.cmpi slt, %add3A_102, %lt3A_104 : vector<16xi32>
      %and3A_106 = arith.andi %ge3A_103, %lt3A_105 : vector<16xi1>
      %lt3A_107 = arith.constant 1000 : i32
      %lt3A_108 = vector.broadcast %lt3A_107 : i32 to vector<16xi32>
      %lt3A_109 = arith.cmpi slt, %sub3A_84, %lt3A_108 : vector<16xi32>
      %sub3A_110 = arith.constant 1000 : i32
      %sub3A_111 = vector.broadcast %sub3A_110 : i32 to vector<16xi32>
      %sub3A_112 = arith.subi %sub3A_84, %sub3A_111 : vector<16xi32>
      %select_n3A_113 = arith.select %lt3A_109, %sub3A_84, %sub3A_112 : vector<16xi1>, vector<16xi32>
      %sub3A_114 = vector.broadcast %while3A_65 : i32 to vector<16xi32>
      %sub3A_115 = arith.subi %add3A_102, %sub3A_114 : vector<16xi32>
      %mul3A_116 = arith.constant 1000 : i32
      %mul3A_117 = vector.broadcast %mul3A_116 : i32 to vector<16xi32>
      %mul3A_118 = arith.muli %sub3A_115, %mul3A_117 : vector<16xi32>
      %add3A_119 = arith.addi %mul3A_118, %select_n3A_113 : vector<16xi32>
      %jit3A_120 = arith.constant 0 : i32
      %broadcast_in_dim3A_121 = vector.broadcast %jit3A_120 : i32 to vector<16xi32>
      %select_n3A_122 = arith.select %and3A_106, %add3A_119, %broadcast_in_dim3A_121 : vector<16xi1>, vector<16xi32>
      %add3A_123 = vector.broadcast %mul3A_69 : i32 to vector<16xi32>
      %add3A_124 = arith.addi %select_n3A_122, %add3A_123 : vector<16xi32>
      %lt3A_125 = arith.constant 1000 : i32
      %lt3A_126 = vector.broadcast %lt3A_125 : i32 to vector<16xi32>
      %lt3A_127 = arith.cmpi slt, %sub3A_84, %lt3A_126 : vector<16xi32>
      %and3A_128 = arith.andi %and3A_106, %lt3A_127 : vector<16xi1>
      %lt3A_129 = arith.constant 1000 : i32
      %lt3A_130 = vector.broadcast %lt3A_129 : i32 to vector<16xi32>
      %lt3A_131 = arith.cmpi slt, %sub3A_84, %lt3A_130 : vector<16xi32>
      %not3A = arith.constant dense<true> : vector<16xi1>
      %not3A_132 = arith.xori %lt3A_131, %not3A : vector<16xi1>
      %and3A_133 = arith.andi %and3A_106, %not3A_132 : vector<16xi1>
      tpu.vector_store_idx %arg8[%add3A_124], %broadcast_in_dim3A_5 masked %and3A_128 {add = true} : memref<64000xi32, #tpu.memory_space<vmem>>[vector<16xi32>], vector<16xi32>, vector<16xi1>
      tpu.vector_store_idx %arg8[%add3A_124], %broadcast_in_dim3A_7 masked %and3A_133 {add = true} : memref<64000xi32, #tpu.memory_space<vmem>>[vector<16xi32>], vector<16xi32>, vector<16xi1>
      %slice3A_134 = vector.extract_strided_slice %add3A_102 {offsets = [15], sizes = [1], strides = [1]} : vector<16xi32> to vector<1xi32>
      %squeeze3A_135 = vector.extract %slice3A_134[0] : i32 from vector<1xi32>
      %lt3A_136 = arith.cmpi slt, %squeeze3A_135, %add3A_72 : i32
      %not3A_137 = arith.constant true
      %not3A_138 = arith.xori %lt3A_136, %not3A_137 : i1
      %and3A_139 = arith.andi %not3A_138, %lt3A : i1
      %convert_element_type3A_140 = arith.extui %and3A_139 : i1 to i32
      %cond3A = arith.constant 0 : i32
      %cond3A_141 = arith.cmpi ne, %convert_element_type3A_140, %cond3A : i32
      scf.if %cond3A_141 {
        %delay3A = arith.constant 200 : i32
        tpu.delay %delay3A
        %and3A_150 = arith.constant -64 : i32
        %and3A_151 = arith.andi %min3A_71, %and3A_150 : i32
        %and3A_152 = arith.constant 32 : i32
        %and3A_153 = arith.andi %min3A_71, %and3A_152 : i32
        %ne3A_154 = arith.constant 0 : i32
        %ne3A_155 = arith.cmpi ne, %and3A_153, %ne3A_154 : i32
        %convert_element_type3A_156 = arith.extui %ne3A_155 : i1 to i32
        %cond3A_157 = arith.constant 0 : i32
        %cond3A_158 = arith.cmpi ne, %convert_element_type3A_156, %cond3A_157 : i32
        scf.if %cond3A_158 {
          %mul3A_196 = arith.constant 1000 : i32
          %mul3A_197 = arith.muli %and3A_151, %mul3A_196 : i32
          %add3A_198 = arith.addi %mul3A_69, %mul3A_197 : i32
          %multiple_of3A_199 = tpu.assume_multiple %add3A_198, 8 : i32
          %add3A_200 = arith.addi %while3A_65, %and3A_151 : i32
          %mul3A_201 = arith.constant 1000 : i32
          %mul3A_202 = arith.muli %add3A_200, %mul3A_201 : i32
          %multiple_of3A_203 = tpu.assume_multiple %mul3A_202, 8 : i32
          "tpu.region"() ({
            %run_scoped3A = tpu.sem_alloc : memref<!tpu.dma_semaphore, #tpu.memory_space<semaphore_mem>>
            %dma_start3A = tpu.memref_slice %arg8[%multiple_of3A_199] : memref<64000xi32, #tpu.memory_space<vmem>> -> memref<32000xi32, #tpu.memory_space<vmem>>
            %dma_start3A_204 = tpu.memref_slice %arg5[%multiple_of3A_203] : memref<8000000xi32, #tpu.memory_space<hbm>> -> memref<32000xi32, #tpu.memory_space<hbm>>
            %dma_start3A_205 = tpu.memref_slice %arg5[%multiple_of3A_203] : memref<8000000xi32, #tpu.memory_space<hbm>> -> memref<32000xi32, #tpu.memory_space<hbm>>
            %dma_start3A_206 = tpu.memref_slice %arg8[%multiple_of3A_199] : memref<64000xi32, #tpu.memory_space<vmem>> -> memref<32000xi32, #tpu.memory_space<vmem>>
            tpu.enqueue_dma source(%dma_start3A_206 : memref<32000xi32, #tpu.memory_space<vmem>>) target(%dma_start3A_205 : memref<32000xi32, #tpu.memory_space<hbm>>) target_semaphore(%run_scoped3A : memref<!tpu.dma_semaphore, #tpu.memory_space<semaphore_mem>>)
            %dma_wait3A = tpu.memref_slice %arg8[%multiple_of3A_199] : memref<64000xi32, #tpu.memory_space<vmem>> -> memref<32000xi32, #tpu.memory_space<vmem>>
            %dma_wait3A_207 = tpu.memref_slice %arg5[%multiple_of3A_203] : memref<8000000xi32, #tpu.memory_space<hbm>> -> memref<32000xi32, #tpu.memory_space<hbm>>
            %dma_wait3A_208 = tpu.memref_slice %arg5[%multiple_of3A_203] : memref<8000000xi32, #tpu.memory_space<hbm>> -> memref<32000xi32, #tpu.memory_space<hbm>>
            %dma_wait3A_209 = tpu.memref_slice %arg8[%multiple_of3A_199] : memref<64000xi32, #tpu.memory_space<vmem>> -> memref<32000xi32, #tpu.memory_space<vmem>>
            tpu.wait_dma2 semaphore(%run_scoped3A : memref<!tpu.dma_semaphore, #tpu.memory_space<semaphore_mem>>) src(%dma_wait3A_209 : memref<32000xi32, #tpu.memory_space<vmem>>) dst(%dma_wait3A_208 : memref<32000xi32, #tpu.memory_space<hbm>>)
            tpu.yield
          }) : () -> ()
        } else {
        }
        %and3A_159 = arith.constant -32 : i32
        %and3A_160 = arith.andi %min3A_71, %and3A_159 : i32
        %and3A_161 = arith.constant 16 : i32
        %and3A_162 = arith.andi %min3A_71, %and3A_161 : i32
        %ne3A_163 = arith.constant 0 : i32
        %ne3A_164 = arith.cmpi ne, %and3A_162, %ne3A_163 : i32
        %convert_element_type3A_165 = arith.extui %ne3A_164 : i1 to i32
        %cond3A_166 = arith.constant 0 : i32
        %cond3A_167 = arith.cmpi ne, %convert_element_type3A_165, %cond3A_166 : i32
        scf.if %cond3A_167 {
          %mul3A_196 = arith.constant 1000 : i32
          %mul3A_197 = arith.muli %and3A_160, %mul3A_196 : i32
          %add3A_198 = arith.addi %mul3A_69, %mul3A_197 : i32
          %multiple_of3A_199 = tpu.assume_multiple %add3A_198, 8 : i32
          %add3A_200 = arith.addi %while3A_65, %and3A_160 : i32
          %mul3A_201 = arith.constant 1000 : i32
          %mul3A_202 = arith.muli %add3A_200, %mul3A_201 : i32
          %multiple_of3A_203 = tpu.assume_multiple %mul3A_202, 8 : i32
          "tpu.region"() ({
            %run_scoped3A = tpu.sem_alloc : memref<!tpu.dma_semaphore, #tpu.memory_space<semaphore_mem>>
            %dma_start3A = tpu.memref_slice %arg8[%multiple_of3A_199] : memref<64000xi32, #tpu.memory_space<vmem>> -> memref<16000xi32, #tpu.memory_space<vmem>>
            %dma_start3A_204 = tpu.memref_slice %arg5[%multiple_of3A_203] : memref<8000000xi32, #tpu.memory_space<hbm>> -> memref<16000xi32, #tpu.memory_space<hbm>>
            %dma_start3A_205 = tpu.memref_slice %arg5[%multiple_of3A_203] : memref<8000000xi32, #tpu.memory_space<hbm>> -> memref<16000xi32, #tpu.memory_space<hbm>>
            %dma_start3A_206 = tpu.memref_slice %arg8[%multiple_of3A_199] : memref<64000xi32, #tpu.memory_space<vmem>> -> memref<16000xi32, #tpu.memory_space<vmem>>
            tpu.enqueue_dma source(%dma_start3A_206 : memref<16000xi32, #tpu.memory_space<vmem>>) target(%dma_start3A_205 : memref<16000xi32, #tpu.memory_space<hbm>>) target_semaphore(%run_scoped3A : memref<!tpu.dma_semaphore, #tpu.memory_space<semaphore_mem>>)
            %dma_wait3A = tpu.memref_slice %arg8[%multiple_of3A_199] : memref<64000xi32, #tpu.memory_space<vmem>> -> memref<16000xi32, #tpu.memory_space<vmem>>
            %dma_wait3A_207 = tpu.memref_slice %arg5[%multiple_of3A_203] : memref<8000000xi32, #tpu.memory_space<hbm>> -> memref<16000xi32, #tpu.memory_space<hbm>>
            %dma_wait3A_208 = tpu.memref_slice %arg5[%multiple_of3A_203] : memref<8000000xi32, #tpu.memory_space<hbm>> -> memref<16000xi32, #tpu.memory_space<hbm>>
            %dma_wait3A_209 = tpu.memref_slice %arg8[%multiple_of3A_199] : memref<64000xi32, #tpu.memory_space<vmem>> -> memref<16000xi32, #tpu.memory_space<vmem>>
            tpu.wait_dma2 semaphore(%run_scoped3A : memref<!tpu.dma_semaphore, #tpu.memory_space<semaphore_mem>>) src(%dma_wait3A_209 : memref<16000xi32, #tpu.memory_space<vmem>>) dst(%dma_wait3A_208 : memref<16000xi32, #tpu.memory_space<hbm>>)
            tpu.yield
          }) : () -> ()
        } else {
        }
        %and3A_168 = arith.constant -16 : i32
        %and3A_169 = arith.andi %min3A_71, %and3A_168 : i32
        %and3A_170 = arith.constant 8 : i32
        %and3A_171 = arith.andi %min3A_71, %and3A_170 : i32
        %ne3A_172 = arith.constant 0 : i32
        %ne3A_173 = arith.cmpi ne, %and3A_171, %ne3A_172 : i32
        %convert_element_type3A_174 = arith.extui %ne3A_173 : i1 to i32
        %cond3A_175 = arith.constant 0 : i32
        %cond3A_176 = arith.cmpi ne, %convert_element_type3A_174, %cond3A_175 : i32
        scf.if %cond3A_176 {
          %mul3A_196 = arith.constant 1000 : i32
          %mul3A_197 = arith.muli %and3A_169, %mul3A_196 : i32
          %add3A_198 = arith.addi %mul3A_69, %mul3A_197 : i32
          %multiple_of3A_199 = tpu.assume_multiple %add3A_198, 8 : i32
          %add3A_200 = arith.addi %while3A_65, %and3A_169 : i32
          %mul3A_201 = arith.constant 1000 : i32
          %mul3A_202 = arith.muli %add3A_200, %mul3A_201 : i32
          %multiple_of3A_203 = tpu.assume_multiple %mul3A_202, 8 : i32
          "tpu.region"() ({
            %run_scoped3A = tpu.sem_alloc : memref<!tpu.dma_semaphore, #tpu.memory_space<semaphore_mem>>
            %dma_start3A = tpu.memref_slice %arg8[%multiple_of3A_199] : memref<64000xi32, #tpu.memory_space<vmem>> -> memref<8000xi32, #tpu.memory_space<vmem>>
            %dma_start3A_204 = tpu.memref_slice %arg5[%multiple_of3A_203] : memref<8000000xi32, #tpu.memory_space<hbm>> -> memref<8000xi32, #tpu.memory_space<hbm>>
            %dma_start3A_205 = tpu.memref_slice %arg5[%multiple_of3A_203] : memref<8000000xi32, #tpu.memory_space<hbm>> -> memref<8000xi32, #tpu.memory_space<hbm>>
            %dma_start3A_206 = tpu.memref_slice %arg8[%multiple_of3A_199] : memref<64000xi32, #tpu.memory_space<vmem>> -> memref<8000xi32, #tpu.memory_space<vmem>>
            tpu.enqueue_dma source(%dma_start3A_206 : memref<8000xi32, #tpu.memory_space<vmem>>) target(%dma_start3A_205 : memref<8000xi32, #tpu.memory_space<hbm>>) target_semaphore(%run_scoped3A : memref<!tpu.dma_semaphore, #tpu.memory_space<semaphore_mem>>)
            %dma_wait3A = tpu.memref_slice %arg8[%multiple_of3A_199] : memref<64000xi32, #tpu.memory_space<vmem>> -> memref<8000xi32, #tpu.memory_space<vmem>>
            %dma_wait3A_207 = tpu.memref_slice %arg5[%multiple_of3A_203] : memref<8000000xi32, #tpu.memory_space<hbm>> -> memref<8000xi32, #tpu.memory_space<hbm>>
            %dma_wait3A_208 = tpu.memref_slice %arg5[%multiple_of3A_203] : memref<8000000xi32, #tpu.memory_space<hbm>> -> memref<8000xi32, #tpu.memory_space<hbm>>
            %dma_wait3A_209 = tpu.memref_slice %arg8[%multiple_of3A_199] : memref<64000xi32, #tpu.memory_space<vmem>> -> memref<8000xi32, #tpu.memory_space<vmem>>
            tpu.wait_dma2 semaphore(%run_scoped3A : memref<!tpu.dma_semaphore, #tpu.memory_space<semaphore_mem>>) src(%dma_wait3A_209 : memref<8000xi32, #tpu.memory_space<vmem>>) dst(%dma_wait3A_208 : memref<8000xi32, #tpu.memory_space<hbm>>)
            tpu.yield
          }) : () -> ()
        } else {
        }
        %and3A_177 = arith.constant -8 : i32
        %and3A_178 = arith.andi %min3A_71, %and3A_177 : i32
        %and3A_179 = arith.constant 4 : i32
        %and3A_180 = arith.andi %min3A_71, %and3A_179 : i32
        %ne3A_181 = arith.constant 0 : i32
        %ne3A_182 = arith.cmpi ne, %and3A_180, %ne3A_181 : i32
        %convert_element_type3A_183 = arith.extui %ne3A_182 : i1 to i32
        %cond3A_184 = arith.constant 0 : i32
        %cond3A_185 = arith.cmpi ne, %convert_element_type3A_183, %cond3A_184 : i32
        scf.if %cond3A_185 {
          %mul3A_196 = arith.constant 1000 : i32
          %mul3A_197 = arith.muli %and3A_178, %mul3A_196 : i32
          %add3A_198 = arith.addi %mul3A_69, %mul3A_197 : i32
          %multiple_of3A_199 = tpu.assume_multiple %add3A_198, 8 : i32
          %add3A_200 = arith.addi %while3A_65, %and3A_178 : i32
          %mul3A_201 = arith.constant 1000 : i32
          %mul3A_202 = arith.muli %add3A_200, %mul3A_201 : i32
          %multiple_of3A_203 = tpu.assume_multiple %mul3A_202, 8 : i32
          "tpu.region"() ({
            %run_scoped3A = tpu.sem_alloc : memref<!tpu.dma_semaphore, #tpu.memory_space<semaphore_mem>>
            %dma_start3A = tpu.memref_slice %arg8[%multiple_of3A_199] : memref<64000xi32, #tpu.memory_space<vmem>> -> memref<4000xi32, #tpu.memory_space<vmem>>
            %dma_start3A_204 = tpu.memref_slice %arg5[%multiple_of3A_203] : memref<8000000xi32, #tpu.memory_space<hbm>> -> memref<4000xi32, #tpu.memory_space<hbm>>
            %dma_start3A_205 = tpu.memref_slice %arg5[%multiple_of3A_203] : memref<8000000xi32, #tpu.memory_space<hbm>> -> memref<4000xi32, #tpu.memory_space<hbm>>
            %dma_start3A_206 = tpu.memref_slice %arg8[%multiple_of3A_199] : memref<64000xi32, #tpu.memory_space<vmem>> -> memref<4000xi32, #tpu.memory_space<vmem>>
            tpu.enqueue_dma source(%dma_start3A_206 : memref<4000xi32, #tpu.memory_space<vmem>>) target(%dma_start3A_205 : memref<4000xi32, #tpu.memory_space<hbm>>) target_semaphore(%run_scoped3A : memref<!tpu.dma_semaphore, #tpu.memory_space<semaphore_mem>>)
            %dma_wait3A = tpu.memref_slice %arg8[%multiple_of3A_199] : memref<64000xi32, #tpu.memory_space<vmem>> -> memref<4000xi32, #tpu.memory_space<vmem>>
            %dma_wait3A_207 = tpu.memref_slice %arg5[%multiple_of3A_203] : memref<8000000xi32, #tpu.memory_space<hbm>> -> memref<4000xi32, #tpu.memory_space<hbm>>
            %dma_wait3A_208 = tpu.memref_slice %arg5[%multiple_of3A_203] : memref<8000000xi32, #tpu.memory_space<hbm>> -> memref<4000xi32, #tpu.memory_space<hbm>>
            %dma_wait3A_209 = tpu.memref_slice %arg8[%multiple_of3A_199] : memref<64000xi32, #tpu.memory_space<vmem>> -> memref<4000xi32, #tpu.memory_space<vmem>>
            tpu.wait_dma2 semaphore(%run_scoped3A : memref<!tpu.dma_semaphore, #tpu.memory_space<semaphore_mem>>) src(%dma_wait3A_209 : memref<4000xi32, #tpu.memory_space<vmem>>) dst(%dma_wait3A_208 : memref<4000xi32, #tpu.memory_space<hbm>>)
            tpu.yield
          }) : () -> ()
        } else {
        }
        %and3A_186 = arith.constant -4 : i32
        %and3A_187 = arith.andi %min3A_71, %and3A_186 : i32
        %and3A_188 = arith.constant 2 : i32
        %and3A_189 = arith.andi %min3A_71, %and3A_188 : i32
        %ne3A_190 = arith.constant 0 : i32
        %ne3A_191 = arith.cmpi ne, %and3A_189, %ne3A_190 : i32
        %convert_element_type3A_192 = arith.extui %ne3A_191 : i1 to i32
        %cond3A_193 = arith.constant 0 : i32
        %cond3A_194 = arith.cmpi ne, %convert_element_type3A_192, %cond3A_193 : i32
        scf.if %cond3A_194 {
          %mul3A_196 = arith.constant 1000 : i32
          %mul3A_197 = arith.muli %and3A_187, %mul3A_196 : i32
          %add3A_198 = arith.addi %mul3A_69, %mul3A_197 : i32
          %multiple_of3A_199 = tpu.assume_multiple %add3A_198, 8 : i32
          %add3A_200 = arith.addi %while3A_65, %and3A_187 : i32
          %mul3A_201 = arith.constant 1000 : i32
          %mul3A_202 = arith.muli %add3A_200, %mul3A_201 : i32
          %multiple_of3A_203 = tpu.assume_multiple %mul3A_202, 8 : i32
          "tpu.region"() ({
            %run_scoped3A = tpu.sem_alloc : memref<!tpu.dma_semaphore, #tpu.memory_space<semaphore_mem>>
            %dma_start3A = tpu.memref_slice %arg8[%multiple_of3A_199] : memref<64000xi32, #tpu.memory_space<vmem>> -> memref<2000xi32, #tpu.memory_space<vmem>>
            %dma_start3A_204 = tpu.memref_slice %arg5[%multiple_of3A_203] : memref<8000000xi32, #tpu.memory_space<hbm>> -> memref<2000xi32, #tpu.memory_space<hbm>>
            %dma_start3A_205 = tpu.memref_slice %arg5[%multiple_of3A_203] : memref<8000000xi32, #tpu.memory_space<hbm>> -> memref<2000xi32, #tpu.memory_space<hbm>>
            %dma_start3A_206 = tpu.memref_slice %arg8[%multiple_of3A_199] : memref<64000xi32, #tpu.memory_space<vmem>> -> memref<2000xi32, #tpu.memory_space<vmem>>
            tpu.enqueue_dma source(%dma_start3A_206 : memref<2000xi32, #tpu.memory_space<vmem>>) target(%dma_start3A_205 : memref<2000xi32, #tpu.memory_space<hbm>>) target_semaphore(%run_scoped3A : memref<!tpu.dma_semaphore, #tpu.memory_space<semaphore_mem>>)
            %dma_wait3A = tpu.memref_slice %arg8[%multiple_of3A_199] : memref<64000xi32, #tpu.memory_space<vmem>> -> memref<2000xi32, #tpu.memory_space<vmem>>
            %dma_wait3A_207 = tpu.memref_slice %arg5[%multiple_of3A_203] : memref<8000000xi32, #tpu.memory_space<hbm>> -> memref<2000xi32, #tpu.memory_space<hbm>>
            %dma_wait3A_208 = tpu.memref_slice %arg5[%multiple_of3A_203] : memref<8000000xi32, #tpu.memory_space<hbm>> -> memref<2000xi32, #tpu.memory_space<hbm>>
            %dma_wait3A_209 = tpu.memref_slice %arg8[%multiple_of3A_199] : memref<64000xi32, #tpu.memory_space<vmem>> -> memref<2000xi32, #tpu.memory_space<vmem>>
            tpu.wait_dma2 semaphore(%run_scoped3A : memref<!tpu.dma_semaphore, #tpu.memory_space<semaphore_mem>>) src(%dma_wait3A_209 : memref<2000xi32, #tpu.memory_space<vmem>>) dst(%dma_wait3A_208 : memref<2000xi32, #tpu.memory_space<hbm>>)
            tpu.yield
          }) : () -> ()
        } else {
        }
        %multiple_of3A_195 = tpu.assume_multiple %mul3A_69, 8 : i32
        "tpu.region"() ({
          %run_scoped3A = tpu.sem_alloc : memref<!tpu.dma_semaphore, #tpu.memory_space<semaphore_mem>>
          %dma_start3A = tpu.memref_slice %arg8[%multiple_of3A_195] : memref<64000xi32, #tpu.memory_space<vmem>> -> memref<32000xi32, #tpu.memory_space<vmem>>
          %dma_start3A_196 = tpu.memref_slice %arg8[%multiple_of3A_195] : memref<64000xi32, #tpu.memory_space<vmem>> -> memref<32000xi32, #tpu.memory_space<vmem>>
          tpu.enqueue_dma source(%arg4 : memref<32000xi32, #tpu.memory_space<hbm>>) target(%dma_start3A_196 : memref<32000xi32, #tpu.memory_space<vmem>>) target_semaphore(%run_scoped3A : memref<!tpu.dma_semaphore, #tpu.memory_space<semaphore_mem>>)
          %dma_wait3A = tpu.memref_slice %arg8[%multiple_of3A_195] : memref<64000xi32, #tpu.memory_space<vmem>> -> memref<32000xi32, #tpu.memory_space<vmem>>
          %dma_wait3A_197 = tpu.memref_slice %arg8[%multiple_of3A_195] : memref<64000xi32, #tpu.memory_space<vmem>> -> memref<32000xi32, #tpu.memory_space<vmem>>
          tpu.wait_dma2 semaphore(%run_scoped3A : memref<!tpu.dma_semaphore, #tpu.memory_space<semaphore_mem>>) src(%arg4 : memref<32000xi32, #tpu.memory_space<hbm>>) dst(%dma_wait3A_197 : memref<32000xi32, #tpu.memory_space<vmem>>)
          tpu.yield
        }) : () -> ()
      } else {
      }
      %add3A_142 = arith.addi %while3A_65, %min3A_71 : i32
      %select_n3A_143 = arith.select %and3A_139, %add3A_142, %while3A_65 : i32
      %add3A_144 = arith.constant 1 : i32
      %add3A_145 = arith.addi %while3A_66, %add3A_144 : i32
      %select_n3A_146 = arith.select %lt3A_136, %add3A_145, %while3A_66 : i32
      %sub3A_147 = arith.constant 1 : i32
      %sub3A_148 = arith.subi %sub3A_147, %while3A_67 : i32
      %select_n3A_149 = arith.select %and3A_139, %sub3A_148, %while3A_67 : i32
      scf.yield %select_n3A_143, %select_n3A_146, %select_n3A_149 : i32, i32, i32
    }
    return
  }
}

module attributes {stable_mosaic.version = 14 : i64} {
  func.func @body(%arg0: i32, %arg1: memref<1000x768xf32, #tpu.memory_space<vmem>>, %arg2: memref<768x128xf32, #tpu.memory_space<vmem>>, %arg3: memref<1x128xf32, #tpu.memory_space<vmem>>, %arg4: memref<1000x128xf32, #tpu.memory_space<vmem>>) attributes {dimension_semantics = [#tpu.dimension_semantics<arbitrary>], iteration_bounds = array<i64: 2>, scalar_prefetch = 0 : i64, scratch_operands = 0 : i64, tpu.core_type = #tpu.core_type<tc>, window_params = [{transform_indices = @transform_0, window_bounds = array<i64: 1000, 768>}, {pipeline_mode = #tpu.pipeline_mode<synchronous>, transform_indices = @transform_1, window_bounds = array<i64: 768, 128>}, {pipeline_mode = #tpu.pipeline_mode<synchronous>, transform_indices = @transform_2, window_bounds = array<i64: 1, 128>}, {transform_indices = @transform_3, window_bounds = array<i64: 1000, 128>}]} {
    %get3A = arith.constant 0 : index
    %get3A_0 = arith.constant 0 : index
    %get3A_1 = vector.load %arg1[%get3A, %get3A_0] : memref<1000x768xf32, #tpu.memory_space<vmem>>, vector<1000x768xf32>
    %get3A_2 = arith.constant 0 : index
    %get3A_3 = arith.constant 0 : index
    %get3A_4 = vector.load %arg2[%get3A_2, %get3A_3] : memref<768x128xf32, #tpu.memory_space<vmem>>, vector<768x128xf32>
    %dot_general3A = arith.constant dense<0.000000e+00> : vector<1000x128xf32>
    %dot_general3A_5 = tpu.matmul %get3A_1, %get3A_4, %dot_general3A {dimension_numbers = #tpu.dot_dimension_numbers<[1], [0], [0], [1], [0, 0, 1, 1], [], []>, transpose_lhs_hint = false} : vector<1000x768xf32>, vector<768x128xf32>, vector<1000x128xf32> -> vector<1000x128xf32>
    %get3A_6 = arith.constant 0 : index
    %get3A_7 = arith.constant 0 : index
    %get3A_8 = vector.load %arg3[%get3A_6, %get3A_7] : memref<1x128xf32, #tpu.memory_space<vmem>>, vector<1x128xf32>
    %add3A = vector.broadcast %get3A_8 : vector<1x128xf32> to vector<1000x128xf32>
    %add3A_9 = arith.addf %dot_general3A_5, %add3A : vector<1000x128xf32>
    %logistic3A = arith.negf %add3A_9 : vector<1000x128xf32>
    %logistic3A_10 = math.exp %logistic3A : vector<1000x128xf32>
    %logistic3A_11 = arith.constant 1.000000e+00 : f32
    %logistic3A_12 = vector.broadcast %logistic3A_11 : f32 to vector<1000x128xf32>
    %logistic3A_13 = arith.addf %logistic3A_12, %logistic3A_10 : vector<1000x128xf32>
    %logistic3A_14 = arith.divf %logistic3A_12, %logistic3A_13 : vector<1000x128xf32>
    %swap3A = arith.constant 0 : index
    %swap3A_15 = arith.constant 0 : index
    %swap3A_16 = vector.load %arg4[%swap3A, %swap3A_15] : memref<1000x128xf32, #tpu.memory_space<vmem>>, vector<1000x128xf32>
    tpu.vector_store %arg4[%swap3A, %swap3A_15], %logistic3A_14 {strides = array<i32>} : memref<1000x128xf32, #tpu.memory_space<vmem>>, vector<1000x128xf32>,
    return
  }
  func.func @transform_0(%arg0: i32) -> (i32, i32) {
    %c0_i32 = arith.constant 0 : i32
    %c0_i32_0 = arith.constant 0 : i32
    return %arg0, %c0_i32 : i32, i32
  }
  func.func @transform_1(%arg0: i32) -> (i32, i32) {
    %c0_i32 = arith.constant 0 : i32
    %c0_i32_0 = arith.constant 0 : i32
    %c0_i32_1 = arith.constant 0 : i32
    return %c0_i32, %c0_i32_0 : i32, i32
  }
  func.func @transform_2(%arg0: i32) -> (i32, i32) {
    %c0_i32 = arith.constant 0 : i32
    %c0_i32_0 = arith.constant 0 : i32
    %c0_i32_1 = arith.constant 0 : i32
    return %c0_i32, %c0_i32_0 : i32, i32
  }
  func.func @transform_3(%arg0: i32) -> (i32, i32) {
    %c0_i32 = arith.constant 0 : i32
    %c0_i32_0 = arith.constant 0 : i32
    return %arg0, %c0_i32 : i32, i32
  }
}

module attributes {stable_mosaic.version = 14 : i64} {
  func.func @body(%arg0: i32, %arg1: memref<1000x768xf32, #tpu.memory_space<vmem>>, %arg2: memref<768x128xf32, #tpu.memory_space<vmem>>, %arg3: memref<1x128xf32, #tpu.memory_space<vmem>>, %arg4: memref<1000x128xf32, #tpu.memory_space<vmem>>) attributes {dimension_semantics = [#tpu.dimension_semantics<arbitrary>], iteration_bounds = array<i64: 8>, scalar_prefetch = 0 : i64, scratch_operands = 0 : i64, tpu.core_type = #tpu.core_type<tc>, window_params = [{transform_indices = @transform_0, window_bounds = array<i64: 1000, 768>}, {pipeline_mode = #tpu.pipeline_mode<synchronous>, transform_indices = @transform_1, window_bounds = array<i64: 768, 128>}, {pipeline_mode = #tpu.pipeline_mode<synchronous>, transform_indices = @transform_2, window_bounds = array<i64: 1, 128>}, {transform_indices = @transform_3, window_bounds = array<i64: 1000, 128>}]} {
    %get3A = arith.constant 0 : index
    %get3A_0 = arith.constant 0 : index
    %get3A_1 = vector.load %arg1[%get3A, %get3A_0] : memref<1000x768xf32, #tpu.memory_space<vmem>>, vector<1000x768xf32>
    %get3A_2 = arith.constant 0 : index
    %get3A_3 = arith.constant 0 : index
    %get3A_4 = vector.load %arg2[%get3A_2, %get3A_3] : memref<768x128xf32, #tpu.memory_space<vmem>>, vector<768x128xf32>
    %dot_general3A = arith.constant dense<0.000000e+00> : vector<1000x128xf32>
    %dot_general3A_5 = tpu.matmul %get3A_1, %get3A_4, %dot_general3A {dimension_numbers = #tpu.dot_dimension_numbers<[1], [0], [0], [1], [0, 0, 1, 1], [], []>, transpose_lhs_hint = false} : vector<1000x768xf32>, vector<768x128xf32>, vector<1000x128xf32> -> vector<1000x128xf32>
    %get3A_6 = arith.constant 0 : index
    %get3A_7 = arith.constant 0 : index
    %get3A_8 = vector.load %arg3[%get3A_6, %get3A_7] : memref<1x128xf32, #tpu.memory_space<vmem>>, vector<1x128xf32>
    %add3A = vector.broadcast %get3A_8 : vector<1x128xf32> to vector<1000x128xf32>
    %add3A_9 = arith.addf %dot_general3A_5, %add3A : vector<1000x128xf32>
    %logistic3A = arith.negf %add3A_9 : vector<1000x128xf32>
    %logistic3A_10 = math.exp %logistic3A : vector<1000x128xf32>
    %logistic3A_11 = arith.constant 1.000000e+00 : f32
    %logistic3A_12 = vector.broadcast %logistic3A_11 : f32 to vector<1000x128xf32>
    %logistic3A_13 = arith.addf %logistic3A_12, %logistic3A_10 : vector<1000x128xf32>
    %logistic3A_14 = arith.divf %logistic3A_12, %logistic3A_13 : vector<1000x128xf32>
    %swap3A = arith.constant 0 : index
    %swap3A_15 = arith.constant 0 : index
    %swap3A_16 = vector.load %arg4[%swap3A, %swap3A_15] : memref<1000x128xf32, #tpu.memory_space<vmem>>, vector<1000x128xf32>
    tpu.vector_store %arg4[%swap3A, %swap3A_15], %logistic3A_14 {strides = array<i32>} : memref<1000x128xf32, #tpu.memory_space<vmem>>, vector<1000x128xf32>,
    return
  }
  func.func @transform_0(%arg0: i32) -> (i32, i32) {
    %c0_i32 = arith.constant 0 : i32
    %c0_i32_0 = arith.constant 0 : i32
    return %arg0, %c0_i32 : i32, i32
  }
  func.func @transform_1(%arg0: i32) -> (i32, i32) {
    %c0_i32 = arith.constant 0 : i32
    %c0_i32_0 = arith.constant 0 : i32
    %c0_i32_1 = arith.constant 0 : i32
    return %c0_i32, %c0_i32_0 : i32, i32
  }
  func.func @transform_2(%arg0: i32) -> (i32, i32) {
    %c0_i32 = arith.constant 0 : i32
    %c0_i32_0 = arith.constant 0 : i32
    %c0_i32_1 = arith.constant 0 : i32
    return %c0_i32, %c0_i32_0 : i32, i32
  }
  func.func @transform_3(%arg0: i32) -> (i32, i32) {
    %c0_i32 = arith.constant 0 : i32
    %c0_i32_0 = arith.constant 0 : i32
    return %arg0, %c0_i32 : i32, i32
  }
}

module attributes {stable_mosaic.version = 14 : i64} {
  func.func @body(%arg0: memref<1024x768xf32, #tpu.memory_space<vmem>>, %arg1: memref<500x768xf32, #tpu.memory_space<vmem>>, %arg2: memref<768x128xf32, #tpu.memory_space<vmem>>, %arg3: memref<1x128xf32, #tpu.memory_space<vmem>>, %arg4: memref<768x128xf32, #tpu.memory_space<vmem>>, %arg5: memref<1x128xf32, #tpu.memory_space<vmem>>, %arg6: memref<768x128xf32, #tpu.memory_space<vmem>>, %arg7: memref<1x128xf32, #tpu.memory_space<vmem>>, %arg8: memref<1024x128xf32, #tpu.memory_space<vmem>>) attributes {dimension_semantics = [], scalar_prefetch = 0 : i64, scratch_operands = 0 : i64, tpu.core_type = #tpu.core_type<tc>} {
    %get3A = arith.constant 0 : index
    %get3A_0 = arith.constant 0 : index
    %get3A_1 = vector.load %arg0[%get3A, %get3A_0] : memref<1024x768xf32, #tpu.memory_space<vmem>>, vector<1024x768xf32>
    %get3A_2 = arith.constant 0 : index
    %get3A_3 = arith.constant 0 : index
    %get3A_4 = vector.load %arg2[%get3A_2, %get3A_3] : memref<768x128xf32, #tpu.memory_space<vmem>>, vector<768x128xf32>
    %dot_general3A = arith.constant dense<0.000000e+00> : vector<1024x128xf32>
    %dot_general3A_5 = tpu.matmul %get3A_1, %get3A_4, %dot_general3A {dimension_numbers = #tpu.dot_dimension_numbers<[1], [0], [0], [1], [0, 0, 1, 1], [], []>, transpose_lhs_hint = false} : vector<1024x768xf32>, vector<768x128xf32>, vector<1024x128xf32> -> vector<1024x128xf32>
    %get3A_6 = arith.constant 0 : index
    %get3A_7 = arith.constant 0 : index
    %get3A_8 = vector.load %arg3[%get3A_6, %get3A_7] : memref<1x128xf32, #tpu.memory_space<vmem>>, vector<1x128xf32>
    %add3A = vector.broadcast %get3A_8 : vector<1x128xf32> to vector<1024x128xf32>
    %add3A_9 = arith.addf %dot_general3A_5, %add3A : vector<1024x128xf32>
    %logistic3A = arith.negf %add3A_9 : vector<1024x128xf32>
    %logistic3A_10 = math.exp %logistic3A : vector<1024x128xf32>
    %logistic3A_11 = arith.constant 1.000000e+00 : f32
    %logistic3A_12 = vector.broadcast %logistic3A_11 : f32 to vector<1024x128xf32>
    %logistic3A_13 = arith.addf %logistic3A_12, %logistic3A_10 : vector<1024x128xf32>
    %logistic3A_14 = arith.divf %logistic3A_12, %logistic3A_13 : vector<1024x128xf32>
    %get3A_15 = arith.constant 0 : index
    %get3A_16 = arith.constant 0 : index
    %get3A_17 = vector.load %arg1[%get3A_15, %get3A_16] : memref<500x768xf32, #tpu.memory_space<vmem>>, vector<500x768xf32>
    %get3A_18 = arith.constant 0 : index
    %get3A_19 = arith.constant 0 : index
    %get3A_20 = vector.load %arg4[%get3A_18, %get3A_19] : memref<768x128xf32, #tpu.memory_space<vmem>>, vector<768x128xf32>
    %dot_general3A_21 = arith.constant dense<0.000000e+00> : vector<500x128xf32>
    %dot_general3A_22 = tpu.matmul %get3A_17, %get3A_20, %dot_general3A_21 {dimension_numbers = #tpu.dot_dimension_numbers<[1], [0], [0], [1], [0, 0, 1, 1], [], []>, transpose_lhs_hint = false} : vector<500x768xf32>, vector<768x128xf32>, vector<500x128xf32> -> vector<500x128xf32>
    %get3A_23 = arith.constant 0 : index
    %get3A_24 = arith.constant 0 : index
    %get3A_25 = vector.load %arg5[%get3A_23, %get3A_24] : memref<1x128xf32, #tpu.memory_space<vmem>>, vector<1x128xf32>
    %add3A_26 = vector.broadcast %get3A_25 : vector<1x128xf32> to vector<500x128xf32>
    %add3A_27 = arith.addf %dot_general3A_22, %add3A_26 : vector<500x128xf32>
    %logistic3A_28 = arith.negf %add3A_27 : vector<500x128xf32>
    %logistic3A_29 = math.exp %logistic3A_28 : vector<500x128xf32>
    %logistic3A_30 = arith.constant 1.000000e+00 : f32
    %logistic3A_31 = vector.broadcast %logistic3A_30 : f32 to vector<500x128xf32>
    %logistic3A_32 = arith.addf %logistic3A_31, %logistic3A_29 : vector<500x128xf32>
    %logistic3A_33 = arith.divf %logistic3A_31, %logistic3A_32 : vector<500x128xf32>
    %get3A_34 = arith.constant 0 : index
    %get3A_35 = arith.constant 0 : index
    %get3A_36 = vector.load %arg1[%get3A_34, %get3A_35] : memref<500x768xf32, #tpu.memory_space<vmem>>, vector<500x768xf32>
    %get3A_37 = arith.constant 0 : index
    %get3A_38 = arith.constant 0 : index
    %get3A_39 = vector.load %arg6[%get3A_37, %get3A_38] : memref<768x128xf32, #tpu.memory_space<vmem>>, vector<768x128xf32>
    %dot_general3A_40 = arith.constant dense<0.000000e+00> : vector<500x128xf32>
    %dot_general3A_41 = tpu.matmul %get3A_36, %get3A_39, %dot_general3A_40 {dimension_numbers = #tpu.dot_dimension_numbers<[1], [0], [0], [1], [0, 0, 1, 1], [], []>, transpose_lhs_hint = false} : vector<500x768xf32>, vector<768x128xf32>, vector<500x128xf32> -> vector<500x128xf32>
    %get3A_42 = arith.constant 0 : index
    %get3A_43 = arith.constant 0 : index
    %get3A_44 = vector.load %arg7[%get3A_42, %get3A_43] : memref<1x128xf32, #tpu.memory_space<vmem>>, vector<1x128xf32>
    %add3A_45 = vector.broadcast %get3A_44 : vector<1x128xf32> to vector<500x128xf32>
    %add3A_46 = arith.addf %dot_general3A_41, %add3A_45 : vector<500x128xf32>
    %logistic3A_47 = arith.negf %add3A_46 : vector<500x128xf32>
    %logistic3A_48 = math.exp %logistic3A_47 : vector<500x128xf32>
    %logistic3A_49 = arith.constant 1.000000e+00 : f32
    %logistic3A_50 = vector.broadcast %logistic3A_49 : f32 to vector<500x128xf32>
    %logistic3A_51 = arith.addf %logistic3A_50, %logistic3A_48 : vector<500x128xf32>
    %logistic3A_52 = arith.divf %logistic3A_50, %logistic3A_51 : vector<500x128xf32>
    %dot_general3A_53 = arith.constant dense<0.000000e+00> : vector<1024x500xf32>
    %dot_general3A_54 = tpu.matmul %logistic3A_14, %logistic3A_52, %dot_general3A_53 {dimension_numbers = #tpu.dot_dimension_numbers<[1], [1], [0], [0], [0, 0, 1, 0], [], []>, transpose_lhs_hint = false} : vector<1024x128xf32>, vector<500x128xf32>, vector<1024x500xf32> -> vector<1024x500xf32>
    %reduce_sum3A = arith.constant dense<0.000000e+00> : vector<1024xf32>
    %reduce_sum3A_55 = vector.multi_reduction <add>, %dot_general3A_54, %reduce_sum3A [1] : vector<1024x500xf32> to vector<1024xf32>
    %broadcast_in_dim3A = vector.shape_cast %reduce_sum3A_55 : vector<1024xf32> to vector<1024x1xf32>
    %div3A = vector.broadcast %broadcast_in_dim3A : vector<1024x1xf32> to vector<1024x500xf32>
    %div3A_56 = arith.divf %dot_general3A_54, %div3A : vector<1024x500xf32>
    %dot_general3A_57 = arith.constant dense<0.000000e+00> : vector<1024x128xf32>
    %dot_general3A_58 = tpu.matmul %div3A_56, %logistic3A_33, %dot_general3A_57 {dimension_numbers = #tpu.dot_dimension_numbers<[1], [0], [0], [1], [0, 0, 1, 1], [], []>, transpose_lhs_hint = false} : vector<1024x500xf32>, vector<500x128xf32>, vector<1024x128xf32> -> vector<1024x128xf32>
    %mul3A = arith.constant 5.000000e-01 : f32
    %mul3A_59 = vector.broadcast %mul3A : f32 to vector<1024x128xf32>
    %mul3A_60 = arith.mulf %mul3A_59, %dot_general3A_58 : vector<1024x128xf32>
    %mul3A_61 = arith.constant 5.000000e-01 : f32
    %mul3A_62 = vector.broadcast %mul3A_61 : f32 to vector<1024x128xf32>
    %mul3A_63 = arith.mulf %mul3A_62, %logistic3A_14 : vector<1024x128xf32>
    %add3A_64 = arith.addf %mul3A_60, %mul3A_63 : vector<1024x128xf32>
    %swap3A = arith.constant 0 : index
    %swap3A_65 = arith.constant 0 : index
    %swap3A_66 = vector.load %arg8[%swap3A, %swap3A_65] : memref<1024x128xf32, #tpu.memory_space<vmem>>, vector<1024x128xf32>
    tpu.vector_store %arg8[%swap3A, %swap3A_65], %add3A_64 {strides = array<i32>} : memref<1024x128xf32, #tpu.memory_space<vmem>>, vector<1024x128xf32>,
    return
  }
}

module attributes {stable_mosaic.version = 14 : i64} {
  func.func @body(%arg0: i32, %arg1: memref<1000x1000xi32, #tpu.memory_space<vmem>>, %arg2: memref<1000x128xf32, #tpu.memory_space<vmem>>, %arg3: memref<2000x128xf32, #tpu.memory_space<vmem>>, %arg4: memref<2000x128xf32, #tpu.memory_space<vmem>>, %arg5: memref<2000x8xf32, #tpu.memory_space<vmem>>, %arg6: memref<2000x128xf32, #tpu.memory_space<vmem>>, %arg7: memref<2000x8xf32, #tpu.memory_space<vmem>>) attributes {dimension_semantics = [#tpu.dimension_semantics<arbitrary>], iteration_bounds = array<i64: 8>, scalar_prefetch = 0 : i64, scratch_operands = 2 : i64, tpu.core_type = #tpu.core_type<tc>, window_params = [{transform_indices = @transform_0, window_bounds = array<i64: 1000, 1000>}, {transform_indices = @transform_1, window_bounds = array<i64: 1000, 128>}, {pipeline_mode = #tpu.pipeline_mode<synchronous>, transform_indices = @transform_2, window_bounds = array<i64: 2000, 128>}, {pipeline_mode = #tpu.pipeline_mode<synchronous>, transform_indices = @transform_3, window_bounds = array<i64: 2000, 128>}, {pipeline_mode = #tpu.pipeline_mode<synchronous>, transform_indices = @transform_4, window_bounds = array<i64: 2000, 8>}]} {
    %get3A = arith.constant 0 : index
    %get3A_0 = arith.constant 0 : index
    %get3A_1 = vector.load %arg1[%get3A, %get3A_0] : memref<1000x1000xi32, #tpu.memory_space<vmem>>, vector<1000x1000xi32>
    %and3A = arith.constant 1 : i32
    %and3A_2 = vector.broadcast %and3A : i32 to vector<1000x1000xi32>
    %and3A_3 = arith.andi %get3A_1, %and3A_2 : vector<1000x1000xi32>
    %convert_element_type3A = arith.sitofp %and3A_3 : vector<1000x1000xi32> to vector<1000x1000xbf16>
    %shift_right_arithmetic3A = arith.constant 16 : i32
    %shift_right_arithmetic3A_4 = vector.broadcast %shift_right_arithmetic3A : i32 to vector<1000x1000xi32>
    %shift_right_arithmetic3A_5 = arith.shrsi %get3A_1, %shift_right_arithmetic3A_4 : vector<1000x1000xi32>
    %convert_element_type3A_6 = arith.sitofp %shift_right_arithmetic3A_5 : vector<1000x1000xi32> to vector<1000x1000xbf16>
    %add3A = arith.addf %convert_element_type3A, %convert_element_type3A_6 : vector<1000x1000xbf16>
    %broadcast_in_dim3A = arith.constant 1.000000e+00 : bf16
    %broadcast_in_dim3A_7 = vector.broadcast %broadcast_in_dim3A : bf16 to vector<1000x8xbf16>
    %dot_general3A = arith.constant dense<0.000000e+00> : vector<1000x8xf32>
    %dot_general3A_8 = tpu.matmul %add3A, %broadcast_in_dim3A_7, %dot_general3A {dimension_numbers = #tpu.dot_dimension_numbers<[1], [0], [0], [1], [0, 0, 1, 1], [], []>, transpose_lhs_hint = false} : vector<1000x1000xbf16>, vector<1000x8xbf16>, vector<1000x8xf32> -> vector<1000x8xf32>
    %slice3A = vector.extract_strided_slice %dot_general3A_8 {offsets = [0, 0], sizes = [1000, 1], strides = [1, 1]} : vector<1000x8xf32> to vector<1000x1xf32>
    %gt3A = arith.constant 0.000000e+00 : f32
    %gt3A_9 = vector.broadcast %gt3A : f32 to vector<1000x1xf32>
    %gt3A_10 = arith.cmpf ogt, %slice3A, %gt3A_9 : vector<1000x1xf32>
    %rsqrt3A = math.rsqrt %slice3A : vector<1000x1xf32>
    %jit3A = arith.constant 0.000000e+00 : f32
    %broadcast_in_dim3A_11 = vector.broadcast %jit3A : f32 to vector<1000x1xf32>
    %select_n3A = arith.select %gt3A_10, %rsqrt3A, %broadcast_in_dim3A_11 : vector<1000x1xi1>, vector<1000x1xf32>
    %get3A_12 = arith.constant 0 : index
    %get3A_13 = arith.constant 0 : index
    %get3A_14 = vector.load %arg2[%get3A_12, %get3A_13] : memref<1000x128xf32, #tpu.memory_space<vmem>>, vector<1000x128xf32>
    %mul3A = vector.broadcast %select_n3A : vector<1000x1xf32> to vector<1000x128xf32>
    %mul3A_15 = arith.mulf %mul3A, %get3A_14 : vector<1000x128xf32>
    %convert_element_type3A_16 = arith.truncf %mul3A_15 : vector<1000x128xf32> to vector<1000x128xbf16>
    %dot_general3A_17 = arith.constant dense<0.000000e+00> : vector<1000x128xf32>
    %dot_general3A_18 = tpu.matmul %convert_element_type3A, %convert_element_type3A_16, %dot_general3A_17 {dimension_numbers = #tpu.dot_dimension_numbers<[0], [0], [1], [1], [0, 1, 1, 1], [], []>, transpose_lhs_hint = false} : vector<1000x1000xbf16>, vector<1000x128xbf16>, vector<1000x128xf32> -> vector<1000x128xf32>
    %dot_general3A_19 = arith.constant dense<0.000000e+00> : vector<1000x128xf32>
    %dot_general3A_20 = tpu.matmul %convert_element_type3A_6, %convert_element_type3A_16, %dot_general3A_19 {dimension_numbers = #tpu.dot_dimension_numbers<[0], [0], [1], [1], [0, 1, 1, 1], [], []>, transpose_lhs_hint = false} : vector<1000x1000xbf16>, vector<1000x128xbf16>, vector<1000x128xf32> -> vector<1000x128xf32>
    %concatenate3A = tpu.concatenate %dot_general3A_18, %dot_general3A_20 in 0 : vector<1000x128xf32>, vector<1000x128xf32> -> vector<2000x128xf32>
    %broadcast_in_dim3A_21 = arith.constant 1.000000e+00 : bf16
    %broadcast_in_dim3A_22 = vector.broadcast %broadcast_in_dim3A_21 : bf16 to vector<1000x8xbf16>
    %dot_general3A_23 = arith.constant dense<0.000000e+00> : vector<1000x8xf32>
    %dot_general3A_24 = tpu.matmul %convert_element_type3A, %broadcast_in_dim3A_22, %dot_general3A_23 {dimension_numbers = #tpu.dot_dimension_numbers<[0], [0], [1], [1], [0, 1, 1, 1], [], []>, transpose_lhs_hint = false} : vector<1000x1000xbf16>, vector<1000x8xbf16>, vector<1000x8xf32> -> vector<1000x8xf32>
    %dot_general3A_25 = arith.constant dense<0.000000e+00> : vector<1000x8xf32>
    %dot_general3A_26 = tpu.matmul %convert_element_type3A_6, %broadcast_in_dim3A_22, %dot_general3A_25 {dimension_numbers = #tpu.dot_dimension_numbers<[0], [0], [1], [1], [0, 1, 1, 1], [], []>, transpose_lhs_hint = false} : vector<1000x1000xbf16>, vector<1000x8xbf16>, vector<1000x8xf32> -> vector<1000x8xf32>
    %concatenate3A_27 = tpu.concatenate %dot_general3A_24, %dot_general3A_26 in 0 : vector<1000x8xf32>, vector<1000x8xf32> -> vector<2000x8xf32>
    %eq3A = arith.constant 0 : i32
    %eq3A_28 = arith.cmpi eq, %arg0, %eq3A : i32
    %convert_element_type3A_29 = arith.extui %eq3A_28 : i1 to i32
    %cond3A = arith.constant 0 : i32
    %cond3A_30 = arith.cmpi ne, %convert_element_type3A_29, %cond3A : i32
    scf.if %cond3A_30 {
      %swap3A = arith.constant 0 : index
      %swap3A_41 = arith.constant 0 : index
      %swap3A_42 = vector.load %arg6[%swap3A, %swap3A_41] : memref<2000x128xf32, #tpu.memory_space<vmem>>, vector<2000x128xf32>
      tpu.vector_store %arg6[%swap3A, %swap3A_41], %concatenate3A {strides = array<i32>} : memref<2000x128xf32, #tpu.memory_space<vmem>>, vector<2000x128xf32>,
      %swap3A_43 = arith.constant 0 : index
      %swap3A_44 = arith.constant 0 : index
      %swap3A_45 = vector.load %arg7[%swap3A_43, %swap3A_44] : memref<2000x8xf32, #tpu.memory_space<vmem>>, vector<2000x8xf32>
      tpu.vector_store %arg7[%swap3A_43, %swap3A_44], %concatenate3A_27 {strides = array<i32>} : memref<2000x8xf32, #tpu.memory_space<vmem>>, vector<2000x8xf32>,
    } else {
    }
    %gt3A_31 = arith.constant 0 : i32
    %gt3A_32 = arith.cmpi sgt, %arg0, %gt3A_31 : i32
    %convert_element_type3A_33 = arith.extui %gt3A_32 : i1 to i32
    %cond3A_34 = arith.constant 0 : i32
    %cond3A_35 = arith.cmpi ne, %convert_element_type3A_33, %cond3A_34 : i32
    scf.if %cond3A_35 {
      %get3A_41 = arith.constant 0 : index
      %get3A_42 = arith.constant 0 : index
      %get3A_43 = vector.load %arg6[%get3A_41, %get3A_42] : memref<2000x128xf32, #tpu.memory_space<vmem>>, vector<2000x128xf32>
      %add3A_44 = arith.addf %get3A_43, %concatenate3A : vector<2000x128xf32>
      %swap3A = arith.constant 0 : index
      %swap3A_45 = arith.constant 0 : index
      %swap3A_46 = vector.load %arg6[%swap3A, %swap3A_45] : memref<2000x128xf32, #tpu.memory_space<vmem>>, vector<2000x128xf32>
      tpu.vector_store %arg6[%swap3A, %swap3A_45], %add3A_44 {strides = array<i32>} : memref<2000x128xf32, #tpu.memory_space<vmem>>, vector<2000x128xf32>,
      %get3A_47 = arith.constant 0 : index
      %get3A_48 = arith.constant 0 : index
      %get3A_49 = vector.load %arg7[%get3A_47, %get3A_48] : memref<2000x8xf32, #tpu.memory_space<vmem>>, vector<2000x8xf32>
      %add3A_50 = arith.addf %get3A_49, %concatenate3A_27 : vector<2000x8xf32>
      %swap3A_51 = arith.constant 0 : index
      %swap3A_52 = arith.constant 0 : index
      %swap3A_53 = vector.load %arg7[%swap3A_51, %swap3A_52] : memref<2000x8xf32, #tpu.memory_space<vmem>>, vector<2000x8xf32>
      tpu.vector_store %arg7[%swap3A_51, %swap3A_52], %add3A_50 {strides = array<i32>} : memref<2000x8xf32, #tpu.memory_space<vmem>>, vector<2000x8xf32>,
    } else {
    }
    %eq3A_36 = arith.constant 7 : i32
    %eq3A_37 = arith.cmpi eq, %arg0, %eq3A_36 : i32
    %convert_element_type3A_38 = arith.extui %eq3A_37 : i1 to i32
    %cond3A_39 = arith.constant 0 : i32
    %cond3A_40 = arith.cmpi ne, %convert_element_type3A_38, %cond3A_39 : i32
    scf.if %cond3A_40 {
      %get3A_41 = arith.constant 0 : index
      %get3A_42 = arith.constant 0 : index
      %get3A_43 = vector.load %arg7[%get3A_41, %get3A_42] : memref<2000x8xf32, #tpu.memory_space<vmem>>, vector<2000x8xf32>
      %slice3A_44 = vector.extract_strided_slice %get3A_43 {offsets = [0, 0], sizes = [2000, 1], strides = [1, 1]} : vector<2000x8xf32> to vector<2000x1xf32>
      %gt3A_45 = arith.constant 0.000000e+00 : f32
      %gt3A_46 = vector.broadcast %gt3A_45 : f32 to vector<2000x1xf32>
      %gt3A_47 = arith.cmpf ogt, %slice3A_44, %gt3A_46 : vector<2000x1xf32>
      %rsqrt3A_48 = math.rsqrt %slice3A_44 : vector<2000x1xf32>
      %jit3A_49 = arith.constant 0.000000e+00 : f32
      %broadcast_in_dim3A_50 = vector.broadcast %jit3A_49 : f32 to vector<2000x1xf32>
      %select_n3A_51 = arith.select %gt3A_47, %rsqrt3A_48, %broadcast_in_dim3A_50 : vector<2000x1xi1>, vector<2000x1xf32>
      %get3A_52 = arith.constant 0 : index
      %get3A_53 = arith.constant 0 : index
      %get3A_54 = vector.load %arg3[%get3A_52, %get3A_53] : memref<2000x128xf32, #tpu.memory_space<vmem>>, vector<2000x128xf32>
      %get3A_55 = arith.constant 0 : index
      %get3A_56 = arith.constant 0 : index
      %get3A_57 = vector.load %arg6[%get3A_55, %get3A_56] : memref<2000x128xf32, #tpu.memory_space<vmem>>, vector<2000x128xf32>
      %mul3A_58 = vector.broadcast %select_n3A_51 : vector<2000x1xf32> to vector<2000x128xf32>
      %mul3A_59 = arith.mulf %mul3A_58, %get3A_57 : vector<2000x128xf32>
      %add3A_60 = arith.addf %get3A_54, %mul3A_59 : vector<2000x128xf32>
      %swap3A = arith.constant 0 : index
      %swap3A_61 = arith.constant 0 : index
      %swap3A_62 = vector.load %arg4[%swap3A, %swap3A_61] : memref<2000x128xf32, #tpu.memory_space<vmem>>, vector<2000x128xf32>
      tpu.vector_store %arg4[%swap3A, %swap3A_61], %add3A_60 {strides = array<i32>} : memref<2000x128xf32, #tpu.memory_space<vmem>>, vector<2000x128xf32>,
      %swap3A_63 = arith.constant 0 : index
      %swap3A_64 = arith.constant 0 : index
      %swap3A_65 = vector.load %arg5[%swap3A_63, %swap3A_64] : memref<2000x8xf32, #tpu.memory_space<vmem>>, vector<2000x8xf32>
      tpu.vector_store %arg5[%swap3A_63, %swap3A_64], %get3A_43 {strides = array<i32>} : memref<2000x8xf32, #tpu.memory_space<vmem>>, vector<2000x8xf32>,
    } else {
    }
    return
  }
  func.func @transform_0(%arg0: i32) -> (i32, i32) {
    %c0_i32 = arith.constant 0 : i32
    %c0_i32_0 = arith.constant 0 : i32
    return %arg0, %c0_i32 : i32, i32
  }
  func.func @transform_1(%arg0: i32) -> (i32, i32) {
    %c0_i32 = arith.constant 0 : i32
    %c0_i32_0 = arith.constant 0 : i32
    return %arg0, %c0_i32 : i32, i32
  }
  func.func @transform_2(%arg0: i32) -> (i32, i32) {
    %c0_i32 = arith.constant 0 : i32
    %c0_i32_0 = arith.constant 0 : i32
    %c0_i32_1 = arith.constant 0 : i32
    return %c0_i32, %c0_i32_0 : i32, i32
  }
  func.func @transform_3(%arg0: i32) -> (i32, i32) {
    %c0_i32 = arith.constant 0 : i32
    %c0_i32_0 = arith.constant 0 : i32
    %c0_i32_1 = arith.constant 0 : i32
    return %c0_i32, %c0_i32_0 : i32, i32
  }
  func.func @transform_4(%arg0: i32) -> (i32, i32) {
    %c0_i32 = arith.constant 0 : i32
    %c0_i32_0 = arith.constant 0 : i32
    %c0_i32_1 = arith.constant 0 : i32
    return %c0_i32, %c0_i32_0 : i32, i32
  }
}

module attributes {stable_mosaic.version = 14 : i64} {
  func.func @body(%arg0: i32, %arg1: memref<1000x1000xi32, #tpu.memory_space<vmem>>, %arg2: memref<2000x128xf32, #tpu.memory_space<vmem>>, %arg3: memref<2000x8xf32, #tpu.memory_space<vmem>>, %arg4: memref<1024x128xf32, #tpu.memory_space<vmem>>, %arg5: memref<1024x2000xf32, #tpu.memory_space<vmem>>, %arg6: memref<2000x128xf32, #tpu.memory_space<vmem>>) attributes {dimension_semantics = [#tpu.dimension_semantics<arbitrary>], iteration_bounds = array<i64: 8>, scalar_prefetch = 0 : i64, scratch_operands = 1 : i64, tpu.core_type = #tpu.core_type<tc>, window_params = [{transform_indices = @transform_0, window_bounds = array<i64: 1000, 1000>}, {pipeline_mode = #tpu.pipeline_mode<synchronous>, transform_indices = @transform_1, window_bounds = array<i64: 2000, 128>}, {pipeline_mode = #tpu.pipeline_mode<synchronous>, transform_indices = @transform_2, window_bounds = array<i64: 2000, 8>}, {pipeline_mode = #tpu.pipeline_mode<synchronous>, transform_indices = @transform_3, window_bounds = array<i64: 1024, 128>}, {pipeline_mode = #tpu.pipeline_mode<synchronous>, transform_indices = @transform_4, window_bounds = array<i64: 1024, 2000>}]} {
    %get3A = arith.constant 0 : index
    %get3A_0 = arith.constant 0 : index
    %get3A_1 = vector.load %arg1[%get3A, %get3A_0] : memref<1000x1000xi32, #tpu.memory_space<vmem>>, vector<1000x1000xi32>
    %and3A = arith.constant 1 : i32
    %and3A_2 = vector.broadcast %and3A : i32 to vector<1000x1000xi32>
    %and3A_3 = arith.andi %get3A_1, %and3A_2 : vector<1000x1000xi32>
    %convert_element_type3A = arith.sitofp %and3A_3 : vector<1000x1000xi32> to vector<1000x1000xbf16>
    %shift_right_arithmetic3A = arith.constant 16 : i32
    %shift_right_arithmetic3A_4 = vector.broadcast %shift_right_arithmetic3A : i32 to vector<1000x1000xi32>
    %shift_right_arithmetic3A_5 = arith.shrsi %get3A_1, %shift_right_arithmetic3A_4 : vector<1000x1000xi32>
    %convert_element_type3A_6 = arith.sitofp %shift_right_arithmetic3A_5 : vector<1000x1000xi32> to vector<1000x1000xbf16>
    %get3A_7 = arith.constant 0 : index
    %get3A_8 = arith.constant 0 : index
    %get3A_9 = vector.load %arg3[%get3A_7, %get3A_8] : memref<2000x8xf32, #tpu.memory_space<vmem>>, vector<2000x1xf32>
    %gt3A = arith.constant 0.000000e+00 : f32
    %gt3A_10 = vector.broadcast %gt3A : f32 to vector<2000x1xf32>
    %gt3A_11 = arith.cmpf ogt, %get3A_9, %gt3A_10 : vector<2000x1xf32>
    %rsqrt3A = math.rsqrt %get3A_9 : vector<2000x1xf32>
    %jit3A = arith.constant 0.000000e+00 : f32
    %broadcast_in_dim3A = vector.broadcast %jit3A : f32 to vector<2000x1xf32>
    %select_n3A = arith.select %gt3A_11, %rsqrt3A, %broadcast_in_dim3A : vector<2000x1xi1>, vector<2000x1xf32>
    %get3A_12 = arith.constant 0 : index
    %get3A_13 = arith.constant 0 : index
    %get3A_14 = vector.load %arg2[%get3A_12, %get3A_13] : memref<2000x128xf32, #tpu.memory_space<vmem>>, vector<2000x128xf32>
    %mul3A = vector.broadcast %select_n3A : vector<2000x1xf32> to vector<2000x128xf32>
    %mul3A_15 = arith.mulf %mul3A, %get3A_14 : vector<2000x128xf32>
    %convert_element_type3A_16 = arith.truncf %mul3A_15 : vector<2000x128xf32> to vector<2000x128xbf16>
    %slice3A = vector.extract_strided_slice %convert_element_type3A_16 {offsets = [0, 0], sizes = [1000, 128], strides = [1, 1]} : vector<2000x128xbf16> to vector<1000x128xbf16>
    %dot_general3A = arith.constant dense<0.000000e+00> : vector<1000x128xf32>
    %dot_general3A_17 = tpu.matmul %convert_element_type3A, %slice3A, %dot_general3A {dimension_numbers = #tpu.dot_dimension_numbers<[1], [0], [0], [1], [0, 0, 1, 1], [], []>, transpose_lhs_hint = false} : vector<1000x1000xbf16>, vector<1000x128xbf16>, vector<1000x128xf32> -> vector<1000x128xf32>
    %slice3A_18 = vector.extract_strided_slice %convert_element_type3A_16 {offsets = [1000, 0], sizes = [1000, 128], strides = [1, 1]} : vector<2000x128xbf16> to vector<1000x128xbf16>
    %dot_general3A_19 = arith.constant dense<0.000000e+00> : vector<1000x128xf32>
    %dot_general3A_20 = tpu.matmul %convert_element_type3A_6, %slice3A_18, %dot_general3A_19 {dimension_numbers = #tpu.dot_dimension_numbers<[1], [0], [0], [1], [0, 0, 1, 1], [], []>, transpose_lhs_hint = false} : vector<1000x1000xbf16>, vector<1000x128xbf16>, vector<1000x128xf32> -> vector<1000x128xf32>
    %add3A = arith.addf %dot_general3A_17, %dot_general3A_20 : vector<1000x128xf32>
    %add3A_21 = arith.addf %convert_element_type3A, %convert_element_type3A_6 : vector<1000x1000xbf16>
    %broadcast_in_dim3A_22 = arith.constant 1.000000e+00 : bf16
    %broadcast_in_dim3A_23 = vector.broadcast %broadcast_in_dim3A_22 : bf16 to vector<1000x8xbf16>
    %dot_general3A_24 = arith.constant dense<0.000000e+00> : vector<1000x8xf32>
    %dot_general3A_25 = tpu.matmul %add3A_21, %broadcast_in_dim3A_23, %dot_general3A_24 {dimension_numbers = #tpu.dot_dimension_numbers<[1], [0], [0], [1], [0, 0, 1, 1], [], []>, transpose_lhs_hint = false} : vector<1000x1000xbf16>, vector<1000x8xbf16>, vector<1000x8xf32> -> vector<1000x8xf32>
    %slice3A_26 = vector.extract_strided_slice %dot_general3A_25 {offsets = [0, 0], sizes = [1000, 1], strides = [1, 1]} : vector<1000x8xf32> to vector<1000x1xf32>
    %gt3A_27 = arith.constant 0.000000e+00 : f32
    %gt3A_28 = vector.broadcast %gt3A_27 : f32 to vector<1000x1xf32>
    %gt3A_29 = arith.cmpf ogt, %slice3A_26, %gt3A_28 : vector<1000x1xf32>
    %div3A = arith.constant 1.000000e+00 : f32
    %div3A_30 = vector.broadcast %div3A : f32 to vector<1000x1xf32>
    %div3A_31 = arith.divf %div3A_30, %slice3A_26 : vector<1000x1xf32>
    %jit3A_32 = arith.constant 0.000000e+00 : f32
    %broadcast_in_dim3A_33 = vector.broadcast %jit3A_32 : f32 to vector<1000x1xf32>
    %select_n3A_34 = arith.select %gt3A_29, %div3A_31, %broadcast_in_dim3A_33 : vector<1000x1xi1>, vector<1000x1xf32>
    %mul3A_35 = vector.broadcast %select_n3A_34 : vector<1000x1xf32> to vector<1000x128xf32>
    %mul3A_36 = arith.mulf %mul3A_35, %add3A : vector<1000x128xf32>
    %convert_element_type3A_37 = arith.truncf %mul3A_36 : vector<1000x128xf32> to vector<1000x128xbf16>
    %dot_general3A_38 = arith.constant dense<0.000000e+00> : vector<1000x128xf32>
    %dot_general3A_39 = tpu.matmul %convert_element_type3A, %convert_element_type3A_37, %dot_general3A_38 {dimension_numbers = #tpu.dot_dimension_numbers<[0], [0], [1], [1], [0, 1, 1, 1], [], []>, transpose_lhs_hint = false} : vector<1000x1000xbf16>, vector<1000x128xbf16>, vector<1000x128xf32> -> vector<1000x128xf32>
    %dot_general3A_40 = arith.constant dense<0.000000e+00> : vector<1000x128xf32>
    %dot_general3A_41 = tpu.matmul %convert_element_type3A_6, %convert_element_type3A_37, %dot_general3A_40 {dimension_numbers = #tpu.dot_dimension_numbers<[0], [0], [1], [1], [0, 1, 1, 1], [], []>, transpose_lhs_hint = false} : vector<1000x1000xbf16>, vector<1000x128xbf16>, vector<1000x128xf32> -> vector<1000x128xf32>
    %concatenate3A = tpu.concatenate %dot_general3A_39, %dot_general3A_41 in 0 : vector<1000x128xf32>, vector<1000x128xf32> -> vector<2000x128xf32>
    %eq3A = arith.constant 0 : i32
    %eq3A_42 = arith.cmpi eq, %arg0, %eq3A : i32
    %convert_element_type3A_43 = arith.extui %eq3A_42 : i1 to i32
    %cond3A = arith.constant 0 : i32
    %cond3A_44 = arith.cmpi ne, %convert_element_type3A_43, %cond3A : i32
    scf.if %cond3A_44 {
      %swap3A = arith.constant 0 : index
      %swap3A_55 = arith.constant 0 : index
      %swap3A_56 = vector.load %arg6[%swap3A, %swap3A_55] : memref<2000x128xf32, #tpu.memory_space<vmem>>, vector<2000x128xf32>
      tpu.vector_store %arg6[%swap3A, %swap3A_55], %concatenate3A {strides = array<i32>} : memref<2000x128xf32, #tpu.memory_space<vmem>>, vector<2000x128xf32>,
    } else {
    }
    %gt3A_45 = arith.constant 0 : i32
    %gt3A_46 = arith.cmpi sgt, %arg0, %gt3A_45 : i32
    %convert_element_type3A_47 = arith.extui %gt3A_46 : i1 to i32
    %cond3A_48 = arith.constant 0 : i32
    %cond3A_49 = arith.cmpi ne, %convert_element_type3A_47, %cond3A_48 : i32
    scf.if %cond3A_49 {
      %get3A_55 = arith.constant 0 : index
      %get3A_56 = arith.constant 0 : index
      %get3A_57 = vector.load %arg6[%get3A_55, %get3A_56] : memref<2000x128xf32, #tpu.memory_space<vmem>>, vector<2000x128xf32>
      %add3A_58 = arith.addf %get3A_57, %concatenate3A : vector<2000x128xf32>
      %swap3A = arith.constant 0 : index
      %swap3A_59 = arith.constant 0 : index
      %swap3A_60 = vector.load %arg6[%swap3A, %swap3A_59] : memref<2000x128xf32, #tpu.memory_space<vmem>>, vector<2000x128xf32>
      tpu.vector_store %arg6[%swap3A, %swap3A_59], %add3A_58 {strides = array<i32>} : memref<2000x128xf32, #tpu.memory_space<vmem>>, vector<2000x128xf32>,
    } else {
    }
    %eq3A_50 = arith.constant 7 : i32
    %eq3A_51 = arith.cmpi eq, %arg0, %eq3A_50 : i32
    %convert_element_type3A_52 = arith.extui %eq3A_51 : i1 to i32
    %cond3A_53 = arith.constant 0 : i32
    %cond3A_54 = arith.cmpi ne, %convert_element_type3A_52, %cond3A_53 : i32
    scf.if %cond3A_54 {
      %get3A_55 = arith.constant 0 : index
      %get3A_56 = arith.constant 0 : index
      %get3A_57 = vector.load %arg2[%get3A_55, %get3A_56] : memref<2000x128xf32, #tpu.memory_space<vmem>>, vector<2000x128xf32>
      %get3A_58 = arith.constant 0 : index
      %get3A_59 = arith.constant 0 : index
      %get3A_60 = vector.load %arg6[%get3A_58, %get3A_59] : memref<2000x128xf32, #tpu.memory_space<vmem>>, vector<2000x128xf32>
      %mul3A_61 = vector.broadcast %select_n3A : vector<2000x1xf32> to vector<2000x128xf32>
      %mul3A_62 = arith.mulf %mul3A_61, %get3A_60 : vector<2000x128xf32>
      %add3A_63 = arith.addf %get3A_57, %mul3A_62 : vector<2000x128xf32>
      %mul3A_64 = arith.constant 2.500000e-01 : f32
      %mul3A_65 = vector.broadcast %mul3A_64 : f32 to vector<2000x128xf32>
      %mul3A_66 = arith.mulf %mul3A_65, %add3A_63 : vector<2000x128xf32>
      %get3A_67 = arith.constant 0 : index
      %get3A_68 = arith.constant 0 : index
      %get3A_69 = vector.load %arg4[%get3A_67, %get3A_68] : memref<1024x128xf32, #tpu.memory_space<vmem>>, vector<1024x128xf32>
      %dot_general3A_70 = arith.constant dense<0.000000e+00> : vector<1024x2000xf32>
      %dot_general3A_71 = tpu.matmul %get3A_69, %mul3A_66, %dot_general3A_70 {dimension_numbers = #tpu.dot_dimension_numbers<[1], [1], [0], [0], [0, 0, 1, 0], [], []>, transpose_lhs_hint = false} : vector<1024x128xf32>, vector<2000x128xf32>, vector<1024x2000xf32> -> vector<1024x2000xf32>
      %swap3A = arith.constant 0 : index
      %swap3A_72 = arith.constant 0 : index
      %swap3A_73 = vector.load %arg5[%swap3A, %swap3A_72] : memref<1024x2000xf32, #tpu.memory_space<vmem>>, vector<1024x2000xf32>
      tpu.vector_store %arg5[%swap3A, %swap3A_72], %dot_general3A_71 {strides = array<i32>} : memref<1024x2000xf32, #tpu.memory_space<vmem>>, vector<1024x2000xf32>,
    } else {
    }
    return
  }
  func.func @transform_0(%arg0: i32) -> (i32, i32) {
    %c0_i32 = arith.constant 0 : i32
    %c0_i32_0 = arith.constant 0 : i32
    return %arg0, %c0_i32 : i32, i32
  }
  func.func @transform_1(%arg0: i32) -> (i32, i32) {
    %c0_i32 = arith.constant 0 : i32
    %c0_i32_0 = arith.constant 0 : i32
    %c0_i32_1 = arith.constant 0 : i32
    return %c0_i32, %c0_i32_0 : i32, i32
  }
  func.func @transform_2(%arg0: i32) -> (i32, i32) {
    %c0_i32 = arith.constant 0 : i32
    %c0_i32_0 = arith.constant 0 : i32
    %c0_i32_1 = arith.constant 0 : i32
    return %c0_i32, %c0_i32_0 : i32, i32
  }
  func.func @transform_3(%arg0: i32) -> (i32, i32) {
    %c0_i32 = arith.constant 0 : i32
    %c0_i32_0 = arith.constant 0 : i32
    %c0_i32_1 = arith.constant 0 : i32
    return %c0_i32, %c0_i32_0 : i32, i32
  }
  func.func @transform_4(%arg0: i32) -> (i32, i32) {
    %c0_i32 = arith.constant 0 : i32
    %c0_i32_0 = arith.constant 0 : i32
    %c0_i32_1 = arith.constant 0 : i32
    return %c0_i32, %c0_i32_0 : i32, i32
  }
}

</mosaic_0001>

<sc_bundles>
// kernel: kernel.8.cloned.1.call-start
scs
__scs_entry_jumppad:
0x0: {  	(pc) =	sbr.rel $0x88, $3  }
0x1: {  	(tag) =	ssettag $0x0;
	lr =	simm.s32 $0x1  }
0x2: {  	[smem:$0x3F94] =	sst lr;
	_ =	strace $0xD0000000  }
0x3: {  	_ = 	snop  }
0x4: {  	_ = 	snop  }
0x5: {  	_ = 	snop  }
0x6: {  	_ = 	snop  }
0x7: {  	_ = 	snop  }
__scs_overlays_trampoline_lowered:
0x8: {  	[smem:$0x3FA3] =	sst s0  }
0x9: {  	[smem:$0x3FA4] =	sst s1  }
0xa: {  	[smem:$0x3FA5] =	sst s2  }
0xb: {  	[smem:$0x3FA6] =	sst s3  }
0xc: {  	[smem:$0x3FA7] =	sst s4  }
0xd: {  	[smem:$0x3FA8] =	sst s5  }
0xe: {  	[smem:$0x3FA9] =	sst s6  }
0xf: {  	[smem:$0x3FAA] =	sst s7  }
0x10: {  	[smem:$0x3FAB] =	sst s8  }
0x11: {  	[smem:$0x3FAC] =	sst s9;
	s0 =	simm.s32 @!p0 $0x0  }
0x12: {  	s1 =	sld [smem:$0x3F92];
	s0 =	simm.s32 @p0 $0x1  }
0x13: {  	[smem:$0x3FAD] =	sst s0;
	s0 =	simm.s32 @!p1 $0x0  }
0x14: {  	s2 =	sld [smem:$0x3F91];
	s0 =	simm.s32 @p1 $0x1  }
0x15: {  	[smem:$0x3FAE] =	sst s0;
	s0 =	simm.s32 @!p2 $0x0  }
0x16: {  	s3 =	sld [smem:$0x3FDB];
	s0 =	simm.s32 @p2 $0x1  }
0x17: {  	s4 =	simm.s32 $0x1BF5;
	[smem:$0x3FB0] =	sst s0  }
0x18: {  	s0 =	sld [smem:$0x3F93];
	_ =	swait.ge [sflag:s4], $0x0  }
0x19: {  	s7 =	sld [smem:$0x3F94]  }
0x1a: {  	s8 =	sadd.s32 $0xFFFFE003, lr  }
0x1b: {  	s9 =	sadd.s32 $0xFFFFFEF7, lr;
	s5 =	simm.s32 $0xFFFFFFFF;
	p2 =	slt.u32 s8, $0xFFFFF086  }
0x1c: {  	p1 =	slt.u32 s9, $0xF7A;
	s5 =	simm.s32 @!p2 $0x0  }
0x1d: {  	s5 =	simm.s32 @p1 $0x1;
	p0 =	seq.s32 s7, s2  }
0x1e: {  	s7 =	smul.u32 @!p0 $0xF7A, s2;
	p2 =	seq.s32 @!p0 s5, $0x0  }
0x1f: {  	s9 =	smul.u32 $0xF7A, s1;
	s8 =	simm.s32 @!p0 $0x1BF5;
	p2 =	por !p2, p0  }
0x20: {  	[sflag:s8] =	ssyncset.s32 @!p0 $0xFFFFF086;
	s6 =	sadd.s32 @!p0 s3, s7;
	s7 =	simm.s32 @!p0 $0x108  }
0x21: {  	s3 =	sadd.s32 s3, s9;
	s6 =	sadd.s32 @!p0 $0x88, s6;
	s7 =	simm.s32 @p2 $0x1082  }
0x22: {  	[simem:s7], [sflag:s8] =	dma.local @!p0 [hbm:s6], $0xF7A  }
0x23: {  	s9 =	sor.u32 $0xD0000000, s2;
	s6 =	simm.s32 $0x108;
	_ =	swait.ge @!p0 [sflag:s8], $0x0  }
0x24: {  	s3 =	sadd.s32 $0x88, s3;
	s6 =	simm.s32 @!p1 $0x1082;
	[sflag:s4] =	ssyncset.s32 $0xFFFFF086  }
0x25: {  	[simem:s6], [sflag:s4] =	dma.local [hbm:s3], $0xF7A  }
0x26: {  	[smem:$0x3F94] =	sst s1;
	(tag) =	ssettag s2;
	_ =	strace s9  }
0x27: {  	s1 =	sld [smem:$0x3FA4]  }
0x28: {  	s2 =	sld [smem:$0x3FA5]  }
0x29: {  	s4 =	sld [smem:$0x3FA7]  }
0x2a: {  	p0 =	seq.s32 s5, $0x0;
	s5 =	sld [smem:$0x3FA8]  }
0x2b: {  	s6 =	sld [smem:$0x3FA9]  }
0x2c: {  	s7 =	sld [smem:$0x3FAA]  }
0x2d: {  	s3 =	simm.s32 $0x108;
	s8 =	sld [smem:$0x3FAB]  }
0x2e: {  	s3 =	simm.s32 @!p0 $0x1082;
	s9 =	sld [smem:$0x3FAC]  }
0x2f: {  	lr =	sadd.s32 s0, s3;
	s0 =	sld [smem:$0x3FA3]  }
0x30: {  	s3 =	sld [smem:$0x3FA6]  }
0x31: {  	[smem:$0x3FAF] =	sst s10  }
0x32: {  	s10 =	sld [smem:$0x3FAD];
	_ =	sdelay $0x3  }
0x33: {  	p0 =	seq.s32 s10, $0x1;
	s10 =	sld [smem:$0x3FAF];
	_ =	sdelay $0x3  }
0x34: {  	[smem:$0x3FAF] =	sst s10  }
0x35: {  	s10 =	sld [smem:$0x3FAE];
	_ =	sdelay $0x3  }
0x36: {  	p1 =	seq.s32 s10, $0x1;
	s10 =	sld [smem:$0x3FAF];
	_ =	sdelay $0x3  }
0x37: {  	[smem:$0x3FAF] =	sst s10  }
0x38: {  	s10 =	sld [smem:$0x3FB0]  }
0x39: {  	_ = 	snop;
	(pc) =	sbr.ind lr, $3  }
0x3a: {  	_ = 	snop  }
0x3b: {  	_ = 	snop  }
0x3c: {  	p2 =	seq.s32 s10, $0x1;
	s10 =	sld [smem:$0x3FAF]  }
0x3d: {  	_ =	shalt  }
0x3e: {  	_ =	shalt  }
0x3f: {  	_ =	shalt  }
0x40: {  	_ =	shalt  }
0x41: {  	_ =	shalt  }
0x42: {  	_ =	shalt  }
0x43: {  	_ =	shalt  }
0x44: {  	_ =	shalt  }
0x45: {  	_ =	shalt  }
0x46: {  	_ =	shalt  }
0x47: {  	_ =	shalt  }
0x48: {  	_ =	shalt  }
0x49: {  	_ =	shalt  }
0x4a: {  	_ =	shalt  }
0x4b: {  	_ =	shalt  }
0x4c: {  	_ =	shalt  }
0x4d: {  	_ =	shalt  }
0x4e: {  	_ =	shalt  }
0x4f: {  	_ =	shalt  }
0x50: {  	_ =	shalt  }
0x51: {  	_ =	shalt  }
0x52: {  	_ =	shalt  }
0x53: {  	_ =	shalt  }
0x54: {  	_ =	shalt  }
0x55: {  	_ =	shalt  }
0x56: {  	_ =	shalt  }
0x57: {  	_ =	shalt  }
0x58: {  	_ =	shalt  }
0x59: {  	_ =	shalt  }
0x5a: {  	_ =	shalt  }
0x5b: {  	_ =	shalt  }
0x5c: {  	_ =	shalt  }
0x5d: {  	_ =	shalt  }
0x5e: {  	_ =	shalt  }
0x5f: {  	_ =	shalt  }
0x60: {  	_ =	shalt  }
0x61: {  	_ =	shalt  }
0x62: {  	_ =	shalt  }
0x63: {  	_ =	shalt  }
0x64: {  	_ =	shalt  }
0x65: {  	_ =	shalt  }
0x66: {  	_ =	shalt  }
0x67: {  	_ =	shalt  }
0x68: {  	_ =	shalt  }
0x69: {  	_ =	shalt  }
0x6a: {  	_ =	shalt  }
0x6b: {  	_ =	shalt  }
0x6c: {  	_ =	shalt  }
0x6d: {  	_ =	shalt  }
0x6e: {  	_ =	shalt  }
0x6f: {  	_ =	shalt  }
0x70: {  	_ =	shalt  }
0x71: {  	_ =	shalt  }
0x72: {  	_ =	shalt  }
0x73: {  	_ =	shalt  }
0x74: {  	_ =	shalt  }
0x75: {  	_ =	shalt  }
0x76: {  	_ =	shalt  }
0x77: {  	_ =	shalt  }
0x78: {  	_ =	shalt  }
0x79: {  	_ =	shalt  }
0x7a: {  	_ =	shalt  }
0x7b: {  	_ =	shalt  }
0x7c: {  	_ =	shalt  }
0x7d: {  	_ =	shalt  }
0x7e: {  	_ =	shalt  }
0x7f: {  	_ =	shalt  }
0x80: {  	_ =	shalt  }
0x81: {  	_ =	shalt  }
0x82: {  	_ =	shalt  }
0x83: {  	_ =	shalt  }
0x84: {  	_ =	shalt  }
0x85: {  	_ =	shalt  }
0x86: {  	_ =	shalt  }
0x87: {  	_ =	shalt  }
.Lfunc_end0:
.L_simem_size_0:
called_computation_lowered:
.L_overlay_start_0:
0x88: {  	s2 =	sld [smem:$0x3FD9]  }
0x89: {  	s3 =	sld [smem:$0x3FFE];
	_ =	sdelay $0x1  }
0x8a: {  	s1 =	srdreg.scid  }
0x8b: {  	s0 =	sand.u32 $0x1, s1  }
0x8c: {  	s17 =	sshll.u32 s0, $0xA;
	s2 =	sadd.s32 s3, s2  }
0x8d: {  	s2 =	sadd.s32 s2, s17  }
0x8e: {  	[smem:$0x3FBB] =	sst s2  }
0x8f: {  	_ = 	snop  }
0x90: {  	s2 =	sld [smem:$0x3FD0];
	(tm) =	ssettm $0x1  }
0x91: {  	s18 =	sld [smem:$0x3FFB];
	_ =	sdelay $0x3  }
0x92: {  	_ =	strace s18  }
0x93: {  	s3 =	sld [smem:$0x3FFC];
	_ =	sdelay $0x3  }
0x94: {  	_ =	strace s3  }
0x95: {  	s3 =	sld [smem:$0x3FFD];
	_ =	sdelay $0x3  }
0x96: {  	_ =	strace s3  }
0x97: {  	_ =	strace $0x8FFFFFFF  }
0x98: {  	s19 =	sld [smem:$0x3FDB];
	_ =	sdelay $0x1  }
0x99: {  	s4 =	simm.s32 $_scs_section_size  }
0x9a: {  	s5 =	simm.s32 $_size__tile_overlayer_lowered;
	s6 =	simm.s32 $_tile_overlayer_lowered  }
0x9b: {  	s22 =	simm.s32 $0x1BFF;
	s21 =	sshll.u32 s6, $0x1;
	s3 =	sadd.s32 s4, s19  }
0x9c: {  	s7 =	simm.s32 $0x0;
	s20 =	sshll.u32 s5, $0x1;
	s5 =	sadd.s32 s21, s3  }
0x9d: {  	[timem:s7], [sflag:s22] =	dma.local [hbm:s5], s20  }
0x9e: {  	_ =	swait.ge [sflag:s22], s20  }
0x9f: {  	s4 =	ssub.s32 $0x0, s20;
	[sflag:s22] =	ssyncset.done $0x0  }
0xa0: {  	[sflag:s22] =	ssyncadd.s32 s4;
	_ =	sdelay $0x1  }
0xa1: {  	s23 =	simm.s32 $0x1B8B  }
0xa2: {  	_ =	swait.ge [sflag:s23], $0x1  }
0xa3: {  	[sflag:s23] =	ssyncset.done $0x0  }
0xa4: {  	s25 =	simm.s32 $0x1B8E;
	s24 =	sld [smem:$0x3FFE];
	[sflag:s23] =	ssyncadd.s32 $0xFFFFFFFF  }
0xa5: {  	s26 =	simm.s32 $execute0_lowered;
	[smem:$0x3FD2] =	sst s25  }
0xa6: {  	s5 =	sshll.u32 s26, $0x1;
	_ =	strace $0x80000046;
	[dreg:$0x1] =	wrdreg $0xFFFFFFFF  }
0xa7: {  	s28 =	simm.s32 $_size_execute0_lowered;
	s3 =	sadd.s32 s3, s5;
	[dreg:$0x0] =	wrdreg $0x0  }
0xa8: {  	s5 =	sshll.u32 s28, $0x1;
	[dreg:$0x2] =	wrdreg s3  }
0xa9: {  	[dreg:$0x3] =	wrdreg s5  }
0xaa: {  	[dreg:$0x4] =	wrdreg $0xC0  }
0xab: {  	_ =	task [dreg:s7], $0x5FFFF  }
0xac: {  	[dreg:$0x1] =	wrdreg $0xFFFFFFFF  }
0xad: {  	[dreg:$0x0] =	wrdreg $0x60  }
0xae: {  	[dreg:$0x2] =	wrdreg s24  }
0xaf: {  	[dreg:$0x3] =	wrdreg s2  }
0xb0: {  	[dreg:$0x4] =	wrdreg $0x9  }
0xb1: {  	_ =	task.clear_ibuf [dreg:s7], $0x5FFFF;
	_ =	strace $0x90000046  }
0xb2: {  	s29 =	simm.s32 $0x9;
	_ =	strace $0x80000048  }
0xb3: {  	_ =	swait.ge [sflag:s29], $0x1  }
0xb4: {  	[sflag:s29] =	ssyncadd.s32 $0xFFFFFFFF  }
0xb5: {  	_ =	strace $0x90000048  }
0xb6: {  	_ =	sfence  }
0xb7: {  	s30 =	sld [smem:$0x0];
	_ =	sdelay $0x2  }
0xb8: {  	s31 =	sshll.u32 s1, $0xD;
	s1 =	sshrl.u32 s1, $0x2  }
0xb9: {  	s3 =	sand.u32 $0x4000, s31;
	s1 =	sadd.s32 s1, s30  }
0xba: {  	s0 =	sor.u32 s3, s0;
	s1 =	sshll.u32 s1, $0x11  }
0xbb: {  	s0 =	sor.u32 s1, s0  }
0xbc: {  	s0 =	sadd.s32 $0x8F2B, s0  }
0xbd: {  	[sflag:s0] =	ssyncadd.remote.s32 $0x1  }
0xbe: {  	_ =	sfence.sel $0xFFFF  }
0xbf: {  	[dreg:$0x0] =	wrdreg $0xFFFFFFFF;
	(pc) =	sbr.abs _section_cstart, $3  }
0xc0: {  	[dreg:$0x1] =	wrdreg $0xFFFFFFFF  }
0xc1: {  	_ =	task.clear_ibuf [dreg:s7], $0x2FFFF;
	_ =	strace $0x9FFFFFFF  }
0xc2: {  	(tm) =	ssettm $0x7FFFFFFF  }
0xc3: {  	_ =	shalt  }
tec
execute0_lowered:
.L_overlay_start_1:
0x0: {  	(tag) =	ssettag $0x1  }
0x1: {  	s1 =	srdreg.scid  }
0x2: {  	s0 =	stileid.u32;
	s5 =	rddreg [dreg:$0x0]  }
0x3: {  	s7 =	rddreg [dreg:$0x1];
	s2 =	simm.s32 $0x0;
	s13 =	simm.s32 $0xDC00  }
0x4: {  	s4 =	sand.u32 $0x1, s1;
	s31 =	sshll.u32 s0, $0x1;
	s1 =	rddreg [dreg:$0x2]  }
0x5: {  	s14 =	simm.s32 $0x0;
	[smem:$0x7FF] =	sst s2;
	s10 =	sor.u32 s4, s31  }
0x6: {  	_ =	strace $0x80000047;
	s11 =	ssub.s32 $0x2, s4;
	s8 =	smul.u32 $0x1F00, s10  }
0x7: {  	s4 =	sadd.s32 $0x11C00, s5;
	s12 =	sshrl.u32 s11, $0x1;
	p0 =	seq.s32 s10, $0x1F  }
.Ltmp0:
0x8: {  	p1 =	seq.s32 s10, $0x0;
	s3 =	smax.u32 s8, $0x1000;
	(pc) =	sbr.rel .LBB2_1-.Ltmp0, $4  }
0x9: {  	v0 =	vlaneseq.u32;
	s10 =	simm.s32 $0x1;
	s11 =	ssub.s32 s11, s12;
	s3 =	sadd.s32 $0xFFFFF000, s3  }
0xa: {  	v0 =	vmul.u32 $0xFFFFFFFF, v0;
	s12 =	simm.s32 $0x5F00;
	s9 =	sshrl.u32 s3, $0x3;
	s8 =	ssub.s32 s8, s3  }
0xb: {  	s6 =	sadd.s32 s9, s5;
	s5 =	sadd.s32 $0x12C00, s5;
	s7 =	sadd.s32 s7, s9  }
0xc: {  	v1 =	vimm.s32 $0x1;
	v2 =	vimm.s32 $0x10000;
	v0 =	vadd.s32 $0x3DFFF, v0;
	s9 =	smax.u32 s11, $0x1;
	s11 =	simm.s32 $0x2F80;
	s6 =	sadd.s32 $0x2400, s6  }
.LBB2_5:
0xd: {  	s14 =	sadd.s32 $0x1, s14  }
0xe: {  	p2 =	sne.s32 s14, s9  }
.Ltmp1:
0xf: {  	_ = 	snop;
	(pc) =	sbr.rel @!p2 .LBB2_6-.Ltmp1, $1  }
0x10: {  	_ =	sdelay $0x3  }
.LBB2_1:
0x11: {  	[tilespmem:s2], [sflag:$0x1] =	stream.linear.gather [hbm4b:s6+s2], $0x2F40, $0x38;
	[tilespmem:$0x15900] =	vst v63  }
0x12: {  	_ =	swait.ge [sflag:s10], $0x2F40  }
0x13: {  	[sflag:s10] =	ssyncset.done $0x0  }
0x14: {  	[sflag:s10] =	ssyncadd.s32 $0xFFFFD0C0  }
0x15: {  	[tilespmem:s11], [sflag:$0x1] =	stream.linear.gather [hbm4b:s7+s2], $0x2F40, $0x38;
	[tilespmem:$0x15900] =	vst v63  }
0x16: {  	_ =	swait.ge [sflag:s10], $0x2F40  }
0x17: {  	[sflag:s10] =	ssyncset.done $0x0  }
0x18: {  	[sflag:s10] =	ssyncadd.s32 $0xFFFFD0C0  }
0x19: {  	[tilespmem:s12], [sflag:$0x1] =	stream.linear.gather [hbm4b:s4+s2], $0x7D00, $0x38;
	[tilespmem:$0x15900] =	vst v63  }
0x1a: {  	_ =	swait.ge [sflag:s10], $0x7D00  }
0x1b: {  	[sflag:s10] =	ssyncset.done $0x0  }
0x1c: {  	[sflag:s10] =	ssyncadd.s32 $0xFFFF8300  }
0x1d: {  	[tilespmem:s13], [sflag:$0x1] =	stream.linear.gather [hbm4b:s4+s2], $0x7D00, $0x38;
	[tilespmem:$0x15900] =	vst v63  }
0x1e: {  	_ =	swait.ge [sflag:s10], $0x7D00  }
0x1f: {  	[sflag:s10] =	ssyncset.done $0x0  }
0x20: {  	[sflag:s10] =	ssyncadd.s32 $0xFFFF8300  }
0x21: {  	v3 =	vld [tilespmem:s8+$0x0]  }
0x22: {  	v4 =	vld [tilespmem:s8+$0x1F00];
	_ =	sdelay $0x3  }
0x23: {  	(v2sf) =	vpush v3, $0x0  }
0x24: {  	(v2sf) =	vpush v4, $0x0;
	_ =	sdelay $0xd  }
0x25: {  	s15 =	spop (v2sf)  }
0x26: {  	s16 =	spop (v2sf)  }
0x27: {  	s17 =	sand.u32 $0xFFFFFFFE, s15;
	s15 =	sand.u32 $0xFFFFFFFE, s16  }
0x28: {  	s17 =	simm.s32 @p1 $0x0;
	s15 =	simm.s32 @p0 $0x1F40  }
0x29: {  	s18 =	simm.s32 $0x1;
	s30 =	ssub.s32 s15, s17;
	p2 =	sne.s32 s15, s17  }
0x2a: {  	s19 =	sshra.s32 s30, $0x1F;
	s18 =	simm.s32 @!p2 $0x0  }
0x2b: {  	s20 =	sand.u32 $0x1E, s30;
	s18 =	sor.u32 s18, s19  }
0x2c: {  	p3 =	sne.s32 s20, $0x0;
	p6 =	sne.s32 s18, $0x1  }
0x2d: {  	s31 =	sshrl.u32 s19, $0x1B;
	p2 =	por !p3, !p6  }
0x2e: {  	s16 =	sadd.s32 s31, s30;
	s18 =	simm.s32 $0x1;
	p2 =	por !p2, !p2  }
0x2f: {  	s16 =	sshra.s32 s16, $0x5;
	s18 =	simm.s32 @!p2 $0x0  }
0x30: {  	s16 =	ssub.s32 s16, s18  }
0x31: {  	s16 =	sadd.s32 $0x2F7, s16  }
0x32: {  	p2 =	slt.s32 s16, $0x1  }
.Ltmp2:
0x33: {  	_ = 	snop;
	(pc) =	sbr.rel @!p2 .LBB2_2-.Ltmp2, $4  }
.Ltmp3:
0x34: {  	_ = 	snop;
	(pc) =	sbr.rel @p2 .LBB2_5-.Ltmp3, $4  }
0x35: {  	_ = 	snop  }
0x36: {  	_ = 	snop  }
0x37: {  	s19 =	simm.s32 $0x0;
	s18 =	simm.s32 $0x0  }
0x38: {  	_ = 	snop  }
.LBB2_4:
0x39: {  	p3 =	slt.s32 s21, s20;
	s21 =	simm.s32 $0x1;
	s16 =	sadd.s32 $0xFFFFFFFF, s16  }
0x3a: {  	s21 =	simm.s32 @!p2 $0x0;
	p2 =	sne.s32 s16, $0x0  }
.Ltmp4:
0x3b: {  	_ = 	snop;
	(pc) =	sbr.rel @!p2 .LBB2_5-.Ltmp4, $4  }
0x3c: {  	_ = 	snop  }
0x3d: {  	s20 =	simm.s32 $0x1  }
0x3e: {  	s20 =	simm.s32 @!p3 $0x0  }
0x3f: {  	s19 =	sadd.s32 s20, s19;
	s18 =	sxor.u32 s21, s18  }
.LBB2_2:
0x40: {  	p2 =	slt.s32 s19, $0x2F3;
	s20 =	smov.u32 s19  }
0x41: {  	s20 =	simm.s32 @!p2 $0x2F3  }
0x42: {  	s20 =	sshll.u32 s20, $0x4  }
0x43: {  	v3 =	vld [tilespmem:s20+$0x0];
	_ =	sdelay $0x1  }
0x44: {  	s21 =	sadd.s32 s3, s20  }
0x45: {  	p3 =	slt.s32 s19, $0x2F4;
	v4 =	vmov s21;
	s21 =	simm.s32 $0x0  }
0x46: {  	p2 =	sgt.s32 s15, s17;
	vm0 =	vlt.s32 v4, v0;
	s21 =	simm.s32 @!p3 $0x1F40  }
0x47: {  	s21 =	simm.s32 @!p2 $0x1F40;
	v3 =	vnsel vm0, $0x1F40, v3  }
0x48: {  	v3 =	vadd.s32 s21, v3  }
0x49: {  	(v2sf) =	vpush v3, $0xF;
	_ =	sdelay $0x6  }
0x4a: {  	v63 =	vld [tilespmem:s20+$0x2F80];
	_ =	sdelay $0x2  }
0x4b: {  	s23 =	ssub.s32 s15, s17  }
0x4c: {  	v5 =	vmov s17;
	p3 =	slt.s32 s23, $0x20  }
0x4d: {  	s23 =	simm.s32 @!p3 $0x20;
	v6 =	vadd.s32 $0xFFFFE0C0, v63;
	v5 =	vsub.s32 v3, v5  }
0x4e: {  	s20 =	sadd.s32 s17, s23;
	v4 =	vadd.s32 $0xFFFFDCD8, v63;
	vm14 =	vlt.s32 v6, $0x3E8;
	v5 =	vmul.u32 $0x3E8, v5  }
0x4f: {  	vm1 =	vge.s32 v3, s17;
	vm2 =	vlt.s32 v3, s20;
	v3 =	vsel vm14, v6, v4  }
0x50: {  	s22 =	smul.u32 $0x7D00, s18;
	vm1 =	vmand vm1, vm2;
	v3 =	vadd.s32 v3, v5;
	s21 =	spop (v2sf)  }
0x51: {  	vm15 =	vge.s32 v6, $0x3E8;
	vm0 =	vmand vm14, vm1;
	v3 =	vnsel vm1, $0x0, v3;
	p6 =	sge.s32 s21, s20  }
0x52: {  	vm1 =	vmand vm1, vm15;
	v3 =	vadd.s32 s22, v3;
	p2 =	por !p2, !p6  }
0x53: {  	p2 =	por !p2, !p2  }
.Ltmp5:
0x54: {  	_ = 	snop;
	(pc) =	sbr.rel @!p2 .LBB2_4-.Ltmp5, $3  }
0x55: {  	_ =	sdelay $0x1  }
0x56: {  	[tilespmem:v3+s12+$0x0] =	vst.idx.add.s32.msk vm0, v1  }
0x57: {  	[tilespmem:v3+s12+$0x0] =	vst.idx.add.s32.msk vm1, v2  }
0x58: {  	s24 =	sand.u32 $0x20, s23  }
0x59: {  	p4 =	seq.s32 s24, $0x0  }
0x5a: {  	s24 =	sand.u32 @!p4 $0xFFFFFFC0, s23  }
0x5b: {  	s25 =	sadd.s32 @!p4 s17, s24;
	s24 =	smul.u32 @!p4 $0xFA0, s24  }
0x5c: {  	s25 =	smul.u32 @!p4 $0x3E8, s25  }
0x5d: {  	_ =	sdelay $0x7ff;
	s24 =	sshra.s32 @!p4 s24, $0x2  }
0x5e: {  	_ =	sdelay $0x15e;
	s25 =	sshrl.u32 @!p4 s25, $0x3;
	s24 =	sadd.s32 @!p4 s24, s22  }
0x5f: {  	s26 =	simm.s32 @!p4 $0x0;
	s25 =	sadd.s32 @!p4 s5, s25;
	s24 =	sadd.s32 @!p4 $0x5F00, s24  }
0x60: {  	[hbm4b:s25+s26] =	stream.linear.scatter @!p4 [tilespmem:s24], [sflag:$0x1], $0x7D00, $0x38;
	[tilespmem:$0x15900] =	vst v63  }
0x61: {  	s26 =	sand.u32 $0x10, s23  }
0x62: {  	p3 =	seq.s32 s26, $0x0  }
0x63: {  	s25 =	simm.s32 @!p4 $0x1;
	s24 =	sand.u32 @!p3 $0xFFFFFFE0, s23  }
0x64: {  	_ =	swait.ge @!p4 [sflag:s25], $0x7D00;
	s26 =	sadd.s32 @!p3 s17, s24;
	s24 =	smul.u32 @!p3 $0xFA0, s24  }
0x65: {  	[sflag:s25] =	ssyncset.done @!p4 $0x0;
	s26 =	smul.u32 @!p3 $0x3E8, s26  }
0x66: {  	s28 =	sand.u32 $0x8, s23;
	[sflag:s25] =	ssyncadd.s32 @!p4 $0xFFFF8300;
	s24 =	sshra.s32 @!p3 s24, $0x2  }
0x67: {  	p4 =	seq.s32 s28, $0x0;
	s25 =	sshrl.u32 @!p3 s26, $0x3;
	s24 =	sadd.s32 @!p3 s24, s22  }
0x68: {  	s26 =	simm.s32 @!p3 $0x0;
	s25 =	sadd.s32 @!p3 s5, s25;
	s24 =	sadd.s32 @!p3 $0x5F00, s24  }
0x69: {  	[hbm4b:s25+s26] =	stream.linear.scatter @!p3 [tilespmem:s24], [sflag:$0x1], $0x3E80, $0x38;
	[tilespmem:$0x15900] =	vst v63  }
0x6a: {  	s24 =	sand.u32 @!p4 $0xFFFFFFF0, s23;
	s25 =	simm.s32 @!p3 $0x1  }
0x6b: {  	s26 =	sadd.s32 @!p4 s17, s24;
	s24 =	smul.u32 @!p4 $0xFA0, s24;
	_ =	swait.ge @!p3 [sflag:s25], $0x3E80  }
0x6c: {  	s26 =	smul.u32 @!p4 $0x3E8, s26;
	[sflag:s25] =	ssyncset.done @!p3 $0x0  }
0x6d: {  	s29 =	sand.u32 $0x4, s23;
	s24 =	sshra.s32 @!p4 s24, $0x2;
	[sflag:s25] =	ssyncadd.s32 @!p3 $0xFFFFC180  }
0x6e: {  	p3 =	seq.s32 s29, $0x0;
	s25 =	sshrl.u32 @!p4 s26, $0x3;
	s24 =	sadd.s32 @!p4 s24, s22  }
0x6f: {  	s26 =	simm.s32 @!p4 $0x0;
	s25 =	sadd.s32 @!p4 s5, s25;
	s24 =	sadd.s32 @!p4 $0x5F00, s24  }
0x70: {  	[hbm4b:s25+s26] =	stream.linear.scatter @!p4 [tilespmem:s24], [sflag:$0x1], $0x1F40, $0x38;
	[tilespmem:$0x15900] =	vst v63  }
0x71: {  	s24 =	sand.u32 @!p3 $0xFFFFFFF8, s23;
	s25 =	simm.s32 @!p4 $0x1  }
0x72: {  	s26 =	sadd.s32 @!p3 s17, s24;
	s24 =	smul.u32 @!p3 $0xFA0, s24;
	_ =	swait.ge @!p4 [sflag:s25], $0x1F40  }
0x73: {  	s30 =	sand.u32 $0x2, s23;
	s26 =	smul.u32 @!p3 $0x3E8, s26;
	[sflag:s25] =	ssyncset.done @!p4 $0x0  }
0x74: {  	s24 =	sshra.s32 @!p3 s24, $0x2;
	[sflag:s25] =	ssyncadd.s32 @!p4 $0xFFFFE0C0;
	p4 =	seq.s32 s30, $0x0  }
0x75: {  	s25 =	sshrl.u32 @!p3 s26, $0x3;
	s24 =	sadd.s32 @!p3 s24, s22;
	s26 =	simm.s32 @!p3 $0x0  }
0x76: {  	s23 =	sand.u32 @!p4 $0xFFFFFFFC, s23;
	s25 =	sadd.s32 @!p3 s5, s25;
	s24 =	sadd.s32 @!p3 $0x5F00, s24  }
0x77: {  	[hbm4b:s25+s26] =	stream.linear.scatter @!p3 [tilespmem:s24], [sflag:$0x1], $0xFA0, $0x38;
	[tilespmem:$0x15900] =	vst v63  }
0x78: {  	s17 =	sadd.s32 @!p4 s17, s23;
	s23 =	smul.u32 @!p4 $0xFA0, s23;
	s24 =	simm.s32 @!p3 $0x1  }
0x79: {  	s17 =	smul.u32 @!p4 $0x3E8, s17;
	_ =	swait.ge @!p3 [sflag:s24], $0xFA0  }
0x7a: {  	s23 =	sshra.s32 @!p4 s23, $0x2;
	[sflag:s24] =	ssyncset.done @!p3 $0x0  }
0x7b: {  	s17 =	sshrl.u32 @!p4 s17, $0x3;
	s23 =	sadd.s32 @!p4 s23, s22;
	[sflag:s24] =	ssyncadd.s32 @!p3 $0xFFFFF060  }
0x7c: {  	s17 =	sadd.s32 @!p4 s5, s17;
	s23 =	sadd.s32 @!p4 $0x5F00, s23;
	s24 =	simm.s32 @!p4 $0x0  }
0x7d: {  	[hbm4b:s17+s24] =	stream.linear.scatter @!p4 [tilespmem:s23], [sflag:$0x1], $0x7D0, $0x38;
	[tilespmem:$0x15900] =	vst v63  }
0x7e: {  	s17 =	simm.s32 @!p4 $0x1  }
0x7f: {  	_ =	swait.ge @!p4 [sflag:s17], $0x7D0  }
0x80: {  	[sflag:s17] =	ssyncset.done @!p4 $0x0  }
.Ltmp6:
0x81: {  	s31 =	sadd.s32 $0x5F00, s22;
	[sflag:s17] =	ssyncadd.s32 @!p4 $0xFFFFF830;
	(pc) =	sbr.rel .LBB2_4-.Ltmp6, $4  }
0x82: {  	[tilespmem:s31], [sflag:$0x1] =	stream.linear.gather [hbm4b:s4+s2], $0x7D00, $0x38;
	[tilespmem:$0x15900] =	vst v63  }
0x83: {  	_ =	swait.ge [sflag:s10], $0x7D00  }
0x84: {  	[sflag:s10] =	ssyncset.done $0x0  }
0x85: {  	s17 =	smov.u32 s20;
	[sflag:s10] =	ssyncadd.s32 $0xFFFF8300  }
.LBB2_6:
0x86: {  	_ =	sfence.sel $0x180000  }
0x87: {  	[bflag:$0x0] =	sbarrier.arrive $0xFFFF  }
0x88: {  	p0 =	sne.s32 s0, $0x0;
	_ =	strace $0x90000047  }
0x89: {  	s0 =	sadd.s32 @!p0 $0x100000, s1;
	[bflag:$0x2] =	sbarrier.arrive $0xFFFF  }
0x8a: {  	[sflag:s0] =	ssyncadd.tile.s32 @!p0 $0x1;
	_ =	shalt  }
.Lfunc_end2:
_tile_overlayer_lowered:
.L_overlay_start_2:
0x8b: {  	(tag) =	ssettag $0x2  }
0x8c: {  	s0 =	rddreg [dreg:$0x0];
	s2 =	stileid.u32  }
0x8d: {  	s1 =	rddreg [dreg:$0x1];
	p0 =	sne.s32 s2, $0x0  }
0x8e: {  	s3 =	rddreg [dreg:$0x2];
	[bflag:$0x3] =	sbarrier.arrive $0xFFFF;
	s2 =	simm.s32 @!p0 $0x1C01  }
0x8f: {  	[timem:s3], [sflag:s2] =	dma.local @!p0 [hbm:s0], s1  }
0x90: {  	s0 =	simm.s32 @!p0 $0x1  }
0x91: {  	_ =	swait.ge @!p0 [sflag:s0], s1  }
0x92: {  	s1 =	ssub.s32 @!p0 $0x0, s1;
	[sflag:s0] =	ssyncset.done @!p0 $0x0  }
0x93: {  	[sflag:s0] =	ssyncadd.s32 @!p0 s1  }
0x94: {  	[bflag:$0x3] =	sbarrier.arrive $0xFFFF  }
0x95: {  	_ =	shalt  }

</sc_bundles>
